<compile_context>
chip_gen: v7x
topology: tpu7x:2x2x1
jax: 0.10.2.dev20260603
libtpu: 0.0.44.dev20260713+nightly
codegen_flags: <defaults>
</compile_context>

<pallas_src>
import functools

import jax
import jax.numpy as jnp
from jax import lax
from jax.experimental import pallas as pl
from jax.experimental.pallas import tpu as pltpu
from jax.experimental.pallas import tpu_sc as plsc

N = 500000
D = 64
R = 768
NCHUNK = 651
TAIL = N - R * NCHUNK
NC = 2
NS = 16
NW = NC * NS
NB = 2
TPW = 22


def _body(numbers_hbm, mapper_hbm, eye_hbm, out_hbm,
          map_v, eye_v, z0, z1, zt_v, c0, c1, buf0, buf1, tail_v,
          sem0, sem1, zsem0, zsem1):
    bufs = (buf0, buf1)
    zs = (z0, z1)
    csaves = (c0, c1)
    sems = (sem0, sem1)
    zsems = (zsem0, zsem1)
    wid = lax.axis_index("s") * NC + lax.axis_index("c")
    lane = lax.broadcasted_iota(jnp.int32, (16,), 0)
    zeros16 = jnp.zeros((16,), jnp.float32)

    for b in range(NB):
        pltpu.async_copy(
            numbers_hbm.at[pl.ds((wid + b * NW) * R, R)], zs[b], zsems[b])

    pltpu.sync_copy(mapper_hbm, map_v)
    pltpu.sync_copy(eye_hbm, eye_v)

    def zero_buf(buf):
        def zero_row(c, _):
            for k in range(R // 16):
                buf[c, pl.ds(k * 16, 16)] = zeros16
            return 0

        lax.fori_loop(0, D, zero_row, 0)

    def process(b, chunk, clear_old):
        buf, z_v, c_v = bufs[b], zs[b], csaves[b]
        sem, zsem = sems[b], zsems[b]
        base = chunk * R
        pltpu.make_async_copy(numbers_hbm.at[pl.ds(0, R)], z_v, zsem).wait()

        if clear_old:
            pltpu.make_async_copy(buf, out_hbm.at[:, pl.ds(0, R)], sem).wait()

            @plsc.parallel_loop(0, R // 16, unroll=4)
            def _(j):
                col = j * 16 + lane
                cold = c_v[pl.ds(j * 16, 16)]
                plsc.store_scatter(buf, [cold, col], zeros16)

        @plsc.parallel_loop(0, R // 16, unroll=4)
        def _(j):
            col = j * 16 + lane
            z = z_v[pl.ds(j * 16, 16)]
            c = plsc.load_gather(map_v, [z])
            val = plsc.load_gather(eye_v, [c, c])
            plsc.store_scatter(buf, [c, col], val)
            c_v[pl.ds(j * 16, 16)] = c

        nxt = chunk + NB * NW

        @pl.when(nxt < NCHUNK)
        def _():
            pltpu.async_copy(numbers_hbm.at[pl.ds(nxt * R, R)], z_v, zsem)

        pltpu.async_copy(buf, out_hbm.at[:, pl.ds(base, R)], sem)

    zero_buf(buf0)
    process(0, wid, clear_old=False)
    zero_buf(buf1)

    def zero_tail_row(c, _):
        for k in range(TAIL // 16):
            tail_v[c, pl.ds(k * 16, 16)] = zeros16
        return 0

    lax.fori_loop(0, D, zero_tail_row, 0)
    process(1, wid + NW, clear_old=False)

    def round_body(tt, _):
        for b in range(NB):
            chunk = wid + (NB * tt + b) * NW

            @pl.when(chunk < NCHUNK)
            def _(b=b, chunk=chunk):
                process(b, chunk, clear_old=True)

        return 0

    lax.fori_loop(1, TPW // NB, round_body, 0)

    @pl.when(wid == NW - 1)
    def _():
        pltpu.sync_copy(numbers_hbm.at[pl.ds(R * NCHUNK, TAIL)], zt_v)
        for j in range(TAIL // 16):
            z = zt_v[pl.ds(j * 16, 16)]
            c = plsc.load_gather(map_v, [z])
            col = j * 16 + lane
            val = plsc.load_gather(eye_v, [c, c])
            plsc.store_scatter(tail_v, [c, col], val)
        pltpu.sync_copy(tail_v, out_hbm.at[:, pl.ds(R * NCHUNK, TAIL)])

    for b in range(NB):
        pltpu.make_async_copy(bufs[b], out_hbm.at[:, pl.ds(0, R)], sems[b]).wait()


@jax.jit
def kernel(numbers, mapper, eye_matrix):
    run = functools.partial(
        pl.kernel,
        out_type=jax.ShapeDtypeStruct((D, N), jnp.float32),
        mesh=plsc.VectorSubcoreMesh(core_axis_name="c", subcore_axis_name="s"),
        compiler_params=pltpu.CompilerParams(needs_layout_passes=False),
        scratch_types=[
            pltpu.VMEM((65,), jnp.int32),
            pltpu.VMEM((D, D), jnp.float32),
            pltpu.VMEM((R,), jnp.int32),
            pltpu.VMEM((R,), jnp.int32),
            pltpu.VMEM((TAIL,), jnp.int32),
            pltpu.VMEM((R,), jnp.int32),
            pltpu.VMEM((R,), jnp.int32),
            pltpu.VMEM((D, R), jnp.float32),
            pltpu.VMEM((D, R), jnp.float32),
            pltpu.VMEM((D, TAIL), jnp.float32),
            pltpu.SemaphoreType.DMA,
            pltpu.SemaphoreType.DMA,
            pltpu.SemaphoreType.DMA,
            pltpu.SemaphoreType.DMA,
        ],
    )(_body)
    return run(numbers, mapper, eye_matrix).T

# --- scband reference (transcript-rebuilt; emitter-appended) ---
"""Pipeline reference for scband-one-hot-11536282157552 (READ-ONLY COPY).

The authoritative reference and input builder live on the scoring server;
editing this copy changes nothing except your own understanding.
"""

import jax, jax.numpy as jnp
import numpy as np

N_ATOMS = 500000
NUM_CLASSES = 64

def setup_inputs(seed: int = 0) -> dict:
    key = jax.random.key(seed)
    # atomic numbers Z in [1, 64] (all present in the mapper, so no ValueError path)
    numbers = jax.random.randint(key, (N_ATOMS,), 1, NUM_CLASSES + 1, dtype=jnp.int32)
    # mapper lookup table: mapper[Z] = class index (Z-1 for Z in 1..64); index 0 unused sentinel
    mapper = jnp.concatenate([
        jnp.array([-1], dtype=jnp.int32),
        jnp.arange(NUM_CLASSES, dtype=jnp.int32),
    ])
    # registered buffer: identity matrix used as a one-hot embedding table
    eye_matrix = jnp.eye(NUM_CLASSES, dtype=jnp.float32)
    return {"numbers": numbers, "mapper": mapper, "eye_matrix": eye_matrix}

def reference(numbers, mapper, eye_matrix):
    # class_indices = [mapper[int(z)] for z in data.numbers]
    class_indices = jnp.take(mapper, numbers, axis=0)
    # one-hot via row gather from the eye buffer: self._eye_matrix[class_indices]
    return jnp.take(eye_matrix, class_indices, axis=0)

if __name__ == "__main__":
    import jax
    _d = setup_inputs()
    print(jax.jit(kernel)(*tuple(_d.values())))

</pallas_src>

<mosaic_0001>
#map = affine_map<(d0, d1) -> (0)>
#map1 = affine_map<(d0, d1) -> (0, 0)>
module attributes {stable_mosaic.version = 14 : i64} {
  func.func @_body(%arg0: i32, %arg1: i32, %arg2: memref<500000xi32, #tpu.memory_space<hbm>>, %arg3: memref<65xi32, #tpu.memory_space<hbm>>, %arg4: memref<64x64xf32, #tpu.memory_space<hbm>>, %arg5: memref<64x500000xf32, #tpu.memory_space<hbm>>, %arg6: memref<65xi32, #tpu.memory_space<vmem>>, %arg7: memref<64x64xf32, #tpu.memory_space<vmem>>, %arg8: memref<768xi32, #tpu.memory_space<vmem>>, %arg9: memref<768xi32, #tpu.memory_space<vmem>>, %arg10: memref<32xi32, #tpu.memory_space<vmem>>, %arg11: memref<768xi32, #tpu.memory_space<vmem>>, %arg12: memref<768xi32, #tpu.memory_space<vmem>>, %arg13: memref<64x768xf32, #tpu.memory_space<vmem>>, %arg14: memref<64x768xf32, #tpu.memory_space<vmem>>, %arg15: memref<64x32xf32, #tpu.memory_space<vmem>>, %arg16: memref<!tpu.dma_semaphore, #tpu.memory_space<semaphore_mem>>, %arg17: memref<!tpu.dma_semaphore, #tpu.memory_space<semaphore_mem>>, %arg18: memref<!tpu.dma_semaphore, #tpu.memory_space<semaphore_mem>>, %arg19: memref<!tpu.dma_semaphore, #tpu.memory_space<semaphore_mem>>) attributes {dimension_semantics = [#tpu.dimension_semantics<core_parallel>, #tpu.dimension_semantics<subcore_parallel>], iteration_bounds = array<i64: 2, 16>, scalar_prefetch = 0 : i64, scratch_operands = 14 : i64, tpu.core_type = #tpu.core_type<sc_vector_subcore>, window_params = [{transform_indices = #map}, {transform_indices = #map}, {transform_indices = #map1}, {transform_indices = #map1}]} {
    %mul3A = arith.constant 2 : i32
    %mul3A_0 = arith.muli %arg1, %mul3A : i32
    %add3A = arith.addi %mul3A_0, %arg0 : i32
    %iota3A = tpu.iota {dimensions = array<i32: 0>} : vector<16xi32>
    %broadcast_in_dim3A = arith.constant 0.000000e+00 : f32
    %broadcast_in_dim3A_1 = vector.broadcast %broadcast_in_dim3A : f32 to vector<16xf32>
    %add3A_2 = arith.constant 0 : i32
    %add3A_3 = arith.addi %add3A, %add3A_2 : i32
    %mul3A_4 = arith.constant 768 : i32
    %mul3A_5 = arith.muli %add3A_3, %mul3A_4 : i32
    %dma_start3A = tpu.memref_slice %arg2[%mul3A_5] : memref<500000xi32, #tpu.memory_space<hbm>> -> memref<768xi32, #tpu.memory_space<hbm>>
    %dma_start3A_6 = tpu.memref_slice %arg2[%mul3A_5] : memref<500000xi32, #tpu.memory_space<hbm>> -> memref<768xi32, #tpu.memory_space<hbm>>
    tpu.enqueue_dma source(%dma_start3A_6 : memref<768xi32, #tpu.memory_space<hbm>>) target(%arg8 : memref<768xi32, #tpu.memory_space<vmem>>) target_semaphore(%arg18 : memref<!tpu.dma_semaphore, #tpu.memory_space<semaphore_mem>>)
    %add3A_7 = arith.constant 32 : i32
    %add3A_8 = arith.addi %add3A, %add3A_7 : i32
    %mul3A_9 = arith.constant 768 : i32
    %mul3A_10 = arith.muli %add3A_8, %mul3A_9 : i32
    %dma_start3A_11 = tpu.memref_slice %arg2[%mul3A_10] : memref<500000xi32, #tpu.memory_space<hbm>> -> memref<768xi32, #tpu.memory_space<hbm>>
    %dma_start3A_12 = tpu.memref_slice %arg2[%mul3A_10] : memref<500000xi32, #tpu.memory_space<hbm>> -> memref<768xi32, #tpu.memory_space<hbm>>
    tpu.enqueue_dma source(%dma_start3A_12 : memref<768xi32, #tpu.memory_space<hbm>>) target(%arg9 : memref<768xi32, #tpu.memory_space<vmem>>) target_semaphore(%arg19 : memref<!tpu.dma_semaphore, #tpu.memory_space<semaphore_mem>>)
    "tpu.region"() ({
      %run_scoped3A = tpu.sem_alloc : memref<!tpu.dma_semaphore, #tpu.memory_space<semaphore_mem>>
      tpu.enqueue_dma source(%arg3 : memref<65xi32, #tpu.memory_space<hbm>>) target(%arg6 : memref<65xi32, #tpu.memory_space<vmem>>) target_semaphore(%run_scoped3A : memref<!tpu.dma_semaphore, #tpu.memory_space<semaphore_mem>>)
      tpu.wait_dma2 semaphore(%run_scoped3A : memref<!tpu.dma_semaphore, #tpu.memory_space<semaphore_mem>>) src(%arg3 : memref<65xi32, #tpu.memory_space<hbm>>) dst(%arg6 : memref<65xi32, #tpu.memory_space<vmem>>)
      tpu.yield
    }) : () -> ()
    "tpu.region"() ({
      %run_scoped3A = tpu.sem_alloc : memref<!tpu.dma_semaphore, #tpu.memory_space<semaphore_mem>>
      tpu.enqueue_dma source(%arg4 : memref<64x64xf32, #tpu.memory_space<hbm>>) target(%arg7 : memref<64x64xf32, #tpu.memory_space<vmem>>) target_semaphore(%run_scoped3A : memref<!tpu.dma_semaphore, #tpu.memory_space<semaphore_mem>>)
      tpu.wait_dma2 semaphore(%run_scoped3A : memref<!tpu.dma_semaphore, #tpu.memory_space<semaphore_mem>>) src(%arg4 : memref<64x64xf32, #tpu.memory_space<hbm>>) dst(%arg7 : memref<64x64xf32, #tpu.memory_space<vmem>>)
      tpu.yield
    }) : () -> ()
    %scan3A = arith.constant 0 : i32
    %scan3A_13 = arith.constant 0 : i32
    %scan3A_14 = arith.constant 64 : i32
    %scan3A_15 = arith.addi %scan3A_13, %scan3A_14 : i32
    %scan3A_16 = arith.constant 1 : i32
    %scan3A_17 = scf.for %scan3A_93 = %scan3A_13 to %scan3A_15 step %scan3A_16 iter_args(%scan3A_94 = %scan3A) -> (i32)  : i32 {
      %swap3A = arith.index_cast %scan3A_93 : i32 to index
      %swap3A_95 = arith.constant 0 : index
      %swap3A_96 = tpu.vector_load %arg13[%swap3A, %swap3A_95] {strides = array<i32>} : memref<64x768xf32, #tpu.memory_space<vmem>>, vector<16xf32>,
      tpu.vector_store %arg13[%swap3A, %swap3A_95], %broadcast_in_dim3A_1 {strides = array<i32>} : memref<64x768xf32, #tpu.memory_space<vmem>>, vector<16xf32>,
      %swap3A_97 = arith.index_cast %scan3A_93 : i32 to index
      %swap3A_98 = arith.constant 16 : index
      %swap3A_99 = tpu.vector_load %arg13[%swap3A_97, %swap3A_98] {strides = array<i32>} : memref<64x768xf32, #tpu.memory_space<vmem>>, vector<16xf32>,
      tpu.vector_store %arg13[%swap3A_97, %swap3A_98], %broadcast_in_dim3A_1 {strides = array<i32>} : memref<64x768xf32, #tpu.memory_space<vmem>>, vector<16xf32>,
      %swap3A_100 = arith.index_cast %scan3A_93 : i32 to index
      %swap3A_101 = arith.constant 32 : index
      %swap3A_102 = tpu.vector_load %arg13[%swap3A_100, %swap3A_101] {strides = array<i32>} : memref<64x768xf32, #tpu.memory_space<vmem>>, vector<16xf32>,
      tpu.vector_store %arg13[%swap3A_100, %swap3A_101], %broadcast_in_dim3A_1 {strides = array<i32>} : memref<64x768xf32, #tpu.memory_space<vmem>>, vector<16xf32>,
      %swap3A_103 = arith.index_cast %scan3A_93 : i32 to index
      %swap3A_104 = arith.constant 48 : index
      %swap3A_105 = tpu.vector_load %arg13[%swap3A_103, %swap3A_104] {strides = array<i32>} : memref<64x768xf32, #tpu.memory_space<vmem>>, vector<16xf32>,
      tpu.vector_store %arg13[%swap3A_103, %swap3A_104], %broadcast_in_dim3A_1 {strides = array<i32>} : memref<64x768xf32, #tpu.memory_space<vmem>>, vector<16xf32>,
      %swap3A_106 = arith.index_cast %scan3A_93 : i32 to index
      %swap3A_107 = arith.constant 64 : index
      %swap3A_108 = tpu.vector_load %arg13[%swap3A_106, %swap3A_107] {strides = array<i32>} : memref<64x768xf32, #tpu.memory_space<vmem>>, vector<16xf32>,
      tpu.vector_store %arg13[%swap3A_106, %swap3A_107], %broadcast_in_dim3A_1 {strides = array<i32>} : memref<64x768xf32, #tpu.memory_space<vmem>>, vector<16xf32>,
      %swap3A_109 = arith.index_cast %scan3A_93 : i32 to index
      %swap3A_110 = arith.constant 80 : index
      %swap3A_111 = tpu.vector_load %arg13[%swap3A_109, %swap3A_110] {strides = array<i32>} : memref<64x768xf32, #tpu.memory_space<vmem>>, vector<16xf32>,
      tpu.vector_store %arg13[%swap3A_109, %swap3A_110], %broadcast_in_dim3A_1 {strides = array<i32>} : memref<64x768xf32, #tpu.memory_space<vmem>>, vector<16xf32>,
      %swap3A_112 = arith.index_cast %scan3A_93 : i32 to index
      %swap3A_113 = arith.constant 96 : index
      %swap3A_114 = tpu.vector_load %arg13[%swap3A_112, %swap3A_113] {strides = array<i32>} : memref<64x768xf32, #tpu.memory_space<vmem>>, vector<16xf32>,
      tpu.vector_store %arg13[%swap3A_112, %swap3A_113], %broadcast_in_dim3A_1 {strides = array<i32>} : memref<64x768xf32, #tpu.memory_space<vmem>>, vector<16xf32>,
      %swap3A_115 = arith.index_cast %scan3A_93 : i32 to index
      %swap3A_116 = arith.constant 112 : index
      %swap3A_117 = tpu.vector_load %arg13[%swap3A_115, %swap3A_116] {strides = array<i32>} : memref<64x768xf32, #tpu.memory_space<vmem>>, vector<16xf32>,
      tpu.vector_store %arg13[%swap3A_115, %swap3A_116], %broadcast_in_dim3A_1 {strides = array<i32>} : memref<64x768xf32, #tpu.memory_space<vmem>>, vector<16xf32>,
      %swap3A_118 = arith.index_cast %scan3A_93 : i32 to index
      %swap3A_119 = arith.constant 128 : index
      %swap3A_120 = tpu.vector_load %arg13[%swap3A_118, %swap3A_119] {strides = array<i32>} : memref<64x768xf32, #tpu.memory_space<vmem>>, vector<16xf32>,
      tpu.vector_store %arg13[%swap3A_118, %swap3A_119], %broadcast_in_dim3A_1 {strides = array<i32>} : memref<64x768xf32, #tpu.memory_space<vmem>>, vector<16xf32>,
      %swap3A_121 = arith.index_cast %scan3A_93 : i32 to index
      %swap3A_122 = arith.constant 144 : index
      %swap3A_123 = tpu.vector_load %arg13[%swap3A_121, %swap3A_122] {strides = array<i32>} : memref<64x768xf32, #tpu.memory_space<vmem>>, vector<16xf32>,
      tpu.vector_store %arg13[%swap3A_121, %swap3A_122], %broadcast_in_dim3A_1 {strides = array<i32>} : memref<64x768xf32, #tpu.memory_space<vmem>>, vector<16xf32>,
      %swap3A_124 = arith.index_cast %scan3A_93 : i32 to index
      %swap3A_125 = arith.constant 160 : index
      %swap3A_126 = tpu.vector_load %arg13[%swap3A_124, %swap3A_125] {strides = array<i32>} : memref<64x768xf32, #tpu.memory_space<vmem>>, vector<16xf32>,
      tpu.vector_store %arg13[%swap3A_124, %swap3A_125], %broadcast_in_dim3A_1 {strides = array<i32>} : memref<64x768xf32, #tpu.memory_space<vmem>>, vector<16xf32>,
      %swap3A_127 = arith.index_cast %scan3A_93 : i32 to index
      %swap3A_128 = arith.constant 176 : index
      %swap3A_129 = tpu.vector_load %arg13[%swap3A_127, %swap3A_128] {strides = array<i32>} : memref<64x768xf32, #tpu.memory_space<vmem>>, vector<16xf32>,
      tpu.vector_store %arg13[%swap3A_127, %swap3A_128], %broadcast_in_dim3A_1 {strides = array<i32>} : memref<64x768xf32, #tpu.memory_space<vmem>>, vector<16xf32>,
      %swap3A_130 = arith.index_cast %scan3A_93 : i32 to index
      %swap3A_131 = arith.constant 192 : index
      %swap3A_132 = tpu.vector_load %arg13[%swap3A_130, %swap3A_131] {strides = array<i32>} : memref<64x768xf32, #tpu.memory_space<vmem>>, vector<16xf32>,
      tpu.vector_store %arg13[%swap3A_130, %swap3A_131], %broadcast_in_dim3A_1 {strides = array<i32>} : memref<64x768xf32, #tpu.memory_space<vmem>>, vector<16xf32>,
      %swap3A_133 = arith.index_cast %scan3A_93 : i32 to index
      %swap3A_134 = arith.constant 208 : index
      %swap3A_135 = tpu.vector_load %arg13[%swap3A_133, %swap3A_134] {strides = array<i32>} : memref<64x768xf32, #tpu.memory_space<vmem>>, vector<16xf32>,
      tpu.vector_store %arg13[%swap3A_133, %swap3A_134], %broadcast_in_dim3A_1 {strides = array<i32>} : memref<64x768xf32, #tpu.memory_space<vmem>>, vector<16xf32>,
      %swap3A_136 = arith.index_cast %scan3A_93 : i32 to index
      %swap3A_137 = arith.constant 224 : index
      %swap3A_138 = tpu.vector_load %arg13[%swap3A_136, %swap3A_137] {strides = array<i32>} : memref<64x768xf32, #tpu.memory_space<vmem>>, vector<16xf32>,
      tpu.vector_store %arg13[%swap3A_136, %swap3A_137], %broadcast_in_dim3A_1 {strides = array<i32>} : memref<64x768xf32, #tpu.memory_space<vmem>>, vector<16xf32>,
      %swap3A_139 = arith.index_cast %scan3A_93 : i32 to index
      %swap3A_140 = arith.constant 240 : index
      %swap3A_141 = tpu.vector_load %arg13[%swap3A_139, %swap3A_140] {strides = array<i32>} : memref<64x768xf32, #tpu.memory_space<vmem>>, vector<16xf32>,
      tpu.vector_store %arg13[%swap3A_139, %swap3A_140], %broadcast_in_dim3A_1 {strides = array<i32>} : memref<64x768xf32, #tpu.memory_space<vmem>>, vector<16xf32>,
      %swap3A_142 = arith.index_cast %scan3A_93 : i32 to index
      %swap3A_143 = arith.constant 256 : index
      %swap3A_144 = tpu.vector_load %arg13[%swap3A_142, %swap3A_143] {strides = array<i32>} : memref<64x768xf32, #tpu.memory_space<vmem>>, vector<16xf32>,
      tpu.vector_store %arg13[%swap3A_142, %swap3A_143], %broadcast_in_dim3A_1 {strides = array<i32>} : memref<64x768xf32, #tpu.memory_space<vmem>>, vector<16xf32>,
      %swap3A_145 = arith.index_cast %scan3A_93 : i32 to index
      %swap3A_146 = arith.constant 272 : index
      %swap3A_147 = tpu.vector_load %arg13[%swap3A_145, %swap3A_146] {strides = array<i32>} : memref<64x768xf32, #tpu.memory_space<vmem>>, vector<16xf32>,
      tpu.vector_store %arg13[%swap3A_145, %swap3A_146], %broadcast_in_dim3A_1 {strides = array<i32>} : memref<64x768xf32, #tpu.memory_space<vmem>>, vector<16xf32>,
      %swap3A_148 = arith.index_cast %scan3A_93 : i32 to index
      %swap3A_149 = arith.constant 288 : index
      %swap3A_150 = tpu.vector_load %arg13[%swap3A_148, %swap3A_149] {strides = array<i32>} : memref<64x768xf32, #tpu.memory_space<vmem>>, vector<16xf32>,
      tpu.vector_store %arg13[%swap3A_148, %swap3A_149], %broadcast_in_dim3A_1 {strides = array<i32>} : memref<64x768xf32, #tpu.memory_space<vmem>>, vector<16xf32>,
      %swap3A_151 = arith.index_cast %scan3A_93 : i32 to index
      %swap3A_152 = arith.constant 304 : index
      %swap3A_153 = tpu.vector_load %arg13[%swap3A_151, %swap3A_152] {strides = array<i32>} : memref<64x768xf32, #tpu.memory_space<vmem>>, vector<16xf32>,
      tpu.vector_store %arg13[%swap3A_151, %swap3A_152], %broadcast_in_dim3A_1 {strides = array<i32>} : memref<64x768xf32, #tpu.memory_space<vmem>>, vector<16xf32>,
      %swap3A_154 = arith.index_cast %scan3A_93 : i32 to index
      %swap3A_155 = arith.constant 320 : index
      %swap3A_156 = tpu.vector_load %arg13[%swap3A_154, %swap3A_155] {strides = array<i32>} : memref<64x768xf32, #tpu.memory_space<vmem>>, vector<16xf32>,
      tpu.vector_store %arg13[%swap3A_154, %swap3A_155], %broadcast_in_dim3A_1 {strides = array<i32>} : memref<64x768xf32, #tpu.memory_space<vmem>>, vector<16xf32>,
      %swap3A_157 = arith.index_cast %scan3A_93 : i32 to index
      %swap3A_158 = arith.constant 336 : index
      %swap3A_159 = tpu.vector_load %arg13[%swap3A_157, %swap3A_158] {strides = array<i32>} : memref<64x768xf32, #tpu.memory_space<vmem>>, vector<16xf32>,
      tpu.vector_store %arg13[%swap3A_157, %swap3A_158], %broadcast_in_dim3A_1 {strides = array<i32>} : memref<64x768xf32, #tpu.memory_space<vmem>>, vector<16xf32>,
      %swap3A_160 = arith.index_cast %scan3A_93 : i32 to index
      %swap3A_161 = arith.constant 352 : index
      %swap3A_162 = tpu.vector_load %arg13[%swap3A_160, %swap3A_161] {strides = array<i32>} : memref<64x768xf32, #tpu.memory_space<vmem>>, vector<16xf32>,
      tpu.vector_store %arg13[%swap3A_160, %swap3A_161], %broadcast_in_dim3A_1 {strides = array<i32>} : memref<64x768xf32, #tpu.memory_space<vmem>>, vector<16xf32>,
      %swap3A_163 = arith.index_cast %scan3A_93 : i32 to index
      %swap3A_164 = arith.constant 368 : index
      %swap3A_165 = tpu.vector_load %arg13[%swap3A_163, %swap3A_164] {strides = array<i32>} : memref<64x768xf32, #tpu.memory_space<vmem>>, vector<16xf32>,
      tpu.vector_store %arg13[%swap3A_163, %swap3A_164], %broadcast_in_dim3A_1 {strides = array<i32>} : memref<64x768xf32, #tpu.memory_space<vmem>>, vector<16xf32>,
      %swap3A_166 = arith.index_cast %scan3A_93 : i32 to index
      %swap3A_167 = arith.constant 384 : index
      %swap3A_168 = tpu.vector_load %arg13[%swap3A_166, %swap3A_167] {strides = array<i32>} : memref<64x768xf32, #tpu.memory_space<vmem>>, vector<16xf32>,
      tpu.vector_store %arg13[%swap3A_166, %swap3A_167], %broadcast_in_dim3A_1 {strides = array<i32>} : memref<64x768xf32, #tpu.memory_space<vmem>>, vector<16xf32>,
      %swap3A_169 = arith.index_cast %scan3A_93 : i32 to index
      %swap3A_170 = arith.constant 400 : index
      %swap3A_171 = tpu.vector_load %arg13[%swap3A_169, %swap3A_170] {strides = array<i32>} : memref<64x768xf32, #tpu.memory_space<vmem>>, vector<16xf32>,
      tpu.vector_store %arg13[%swap3A_169, %swap3A_170], %broadcast_in_dim3A_1 {strides = array<i32>} : memref<64x768xf32, #tpu.memory_space<vmem>>, vector<16xf32>,
      %swap3A_172 = arith.index_cast %scan3A_93 : i32 to index
      %swap3A_173 = arith.constant 416 : index
      %swap3A_174 = tpu.vector_load %arg13[%swap3A_172, %swap3A_173] {strides = array<i32>} : memref<64x768xf32, #tpu.memory_space<vmem>>, vector<16xf32>,
      tpu.vector_store %arg13[%swap3A_172, %swap3A_173], %broadcast_in_dim3A_1 {strides = array<i32>} : memref<64x768xf32, #tpu.memory_space<vmem>>, vector<16xf32>,
      %swap3A_175 = arith.index_cast %scan3A_93 : i32 to index
      %swap3A_176 = arith.constant 432 : index
      %swap3A_177 = tpu.vector_load %arg13[%swap3A_175, %swap3A_176] {strides = array<i32>} : memref<64x768xf32, #tpu.memory_space<vmem>>, vector<16xf32>,
      tpu.vector_store %arg13[%swap3A_175, %swap3A_176], %broadcast_in_dim3A_1 {strides = array<i32>} : memref<64x768xf32, #tpu.memory_space<vmem>>, vector<16xf32>,
      %swap3A_178 = arith.index_cast %scan3A_93 : i32 to index
      %swap3A_179 = arith.constant 448 : index
      %swap3A_180 = tpu.vector_load %arg13[%swap3A_178, %swap3A_179] {strides = array<i32>} : memref<64x768xf32, #tpu.memory_space<vmem>>, vector<16xf32>,
      tpu.vector_store %arg13[%swap3A_178, %swap3A_179], %broadcast_in_dim3A_1 {strides = array<i32>} : memref<64x768xf32, #tpu.memory_space<vmem>>, vector<16xf32>,
      %swap3A_181 = arith.index_cast %scan3A_93 : i32 to index
      %swap3A_182 = arith.constant 464 : index
      %swap3A_183 = tpu.vector_load %arg13[%swap3A_181, %swap3A_182] {strides = array<i32>} : memref<64x768xf32, #tpu.memory_space<vmem>>, vector<16xf32>,
      tpu.vector_store %arg13[%swap3A_181, %swap3A_182], %broadcast_in_dim3A_1 {strides = array<i32>} : memref<64x768xf32, #tpu.memory_space<vmem>>, vector<16xf32>,
      %swap3A_184 = arith.index_cast %scan3A_93 : i32 to index
      %swap3A_185 = arith.constant 480 : index
      %swap3A_186 = tpu.vector_load %arg13[%swap3A_184, %swap3A_185] {strides = array<i32>} : memref<64x768xf32, #tpu.memory_space<vmem>>, vector<16xf32>,
      tpu.vector_store %arg13[%swap3A_184, %swap3A_185], %broadcast_in_dim3A_1 {strides = array<i32>} : memref<64x768xf32, #tpu.memory_space<vmem>>, vector<16xf32>,
      %swap3A_187 = arith.index_cast %scan3A_93 : i32 to index
      %swap3A_188 = arith.constant 496 : index
      %swap3A_189 = tpu.vector_load %arg13[%swap3A_187, %swap3A_188] {strides = array<i32>} : memref<64x768xf32, #tpu.memory_space<vmem>>, vector<16xf32>,
      tpu.vector_store %arg13[%swap3A_187, %swap3A_188], %broadcast_in_dim3A_1 {strides = array<i32>} : memref<64x768xf32, #tpu.memory_space<vmem>>, vector<16xf32>,
      %swap3A_190 = arith.index_cast %scan3A_93 : i32 to index
      %swap3A_191 = arith.constant 512 : index
      %swap3A_192 = tpu.vector_load %arg13[%swap3A_190, %swap3A_191] {strides = array<i32>} : memref<64x768xf32, #tpu.memory_space<vmem>>, vector<16xf32>,
      tpu.vector_store %arg13[%swap3A_190, %swap3A_191], %broadcast_in_dim3A_1 {strides = array<i32>} : memref<64x768xf32, #tpu.memory_space<vmem>>, vector<16xf32>,
      %swap3A_193 = arith.index_cast %scan3A_93 : i32 to index
      %swap3A_194 = arith.constant 528 : index
      %swap3A_195 = tpu.vector_load %arg13[%swap3A_193, %swap3A_194] {strides = array<i32>} : memref<64x768xf32, #tpu.memory_space<vmem>>, vector<16xf32>,
      tpu.vector_store %arg13[%swap3A_193, %swap3A_194], %broadcast_in_dim3A_1 {strides = array<i32>} : memref<64x768xf32, #tpu.memory_space<vmem>>, vector<16xf32>,
      %swap3A_196 = arith.index_cast %scan3A_93 : i32 to index
      %swap3A_197 = arith.constant 544 : index
      %swap3A_198 = tpu.vector_load %arg13[%swap3A_196, %swap3A_197] {strides = array<i32>} : memref<64x768xf32, #tpu.memory_space<vmem>>, vector<16xf32>,
      tpu.vector_store %arg13[%swap3A_196, %swap3A_197], %broadcast_in_dim3A_1 {strides = array<i32>} : memref<64x768xf32, #tpu.memory_space<vmem>>, vector<16xf32>,
      %swap3A_199 = arith.index_cast %scan3A_93 : i32 to index
      %swap3A_200 = arith.constant 560 : index
      %swap3A_201 = tpu.vector_load %arg13[%swap3A_199, %swap3A_200] {strides = array<i32>} : memref<64x768xf32, #tpu.memory_space<vmem>>, vector<16xf32>,
      tpu.vector_store %arg13[%swap3A_199, %swap3A_200], %broadcast_in_dim3A_1 {strides = array<i32>} : memref<64x768xf32, #tpu.memory_space<vmem>>, vector<16xf32>,
      %swap3A_202 = arith.index_cast %scan3A_93 : i32 to index
      %swap3A_203 = arith.constant 576 : index
      %swap3A_204 = tpu.vector_load %arg13[%swap3A_202, %swap3A_203] {strides = array<i32>} : memref<64x768xf32, #tpu.memory_space<vmem>>, vector<16xf32>,
      tpu.vector_store %arg13[%swap3A_202, %swap3A_203], %broadcast_in_dim3A_1 {strides = array<i32>} : memref<64x768xf32, #tpu.memory_space<vmem>>, vector<16xf32>,
      %swap3A_205 = arith.index_cast %scan3A_93 : i32 to index
      %swap3A_206 = arith.constant 592 : index
      %swap3A_207 = tpu.vector_load %arg13[%swap3A_205, %swap3A_206] {strides = array<i32>} : memref<64x768xf32, #tpu.memory_space<vmem>>, vector<16xf32>,
      tpu.vector_store %arg13[%swap3A_205, %swap3A_206], %broadcast_in_dim3A_1 {strides = array<i32>} : memref<64x768xf32, #tpu.memory_space<vmem>>, vector<16xf32>,
      %swap3A_208 = arith.index_cast %scan3A_93 : i32 to index
      %swap3A_209 = arith.constant 608 : index
      %swap3A_210 = tpu.vector_load %arg13[%swap3A_208, %swap3A_209] {strides = array<i32>} : memref<64x768xf32, #tpu.memory_space<vmem>>, vector<16xf32>,
      tpu.vector_store %arg13[%swap3A_208, %swap3A_209], %broadcast_in_dim3A_1 {strides = array<i32>} : memref<64x768xf32, #tpu.memory_space<vmem>>, vector<16xf32>,
      %swap3A_211 = arith.index_cast %scan3A_93 : i32 to index
      %swap3A_212 = arith.constant 624 : index
      %swap3A_213 = tpu.vector_load %arg13[%swap3A_211, %swap3A_212] {strides = array<i32>} : memref<64x768xf32, #tpu.memory_space<vmem>>, vector<16xf32>,
      tpu.vector_store %arg13[%swap3A_211, %swap3A_212], %broadcast_in_dim3A_1 {strides = array<i32>} : memref<64x768xf32, #tpu.memory_space<vmem>>, vector<16xf32>,
      %swap3A_214 = arith.index_cast %scan3A_93 : i32 to index
      %swap3A_215 = arith.constant 640 : index
      %swap3A_216 = tpu.vector_load %arg13[%swap3A_214, %swap3A_215] {strides = array<i32>} : memref<64x768xf32, #tpu.memory_space<vmem>>, vector<16xf32>,
      tpu.vector_store %arg13[%swap3A_214, %swap3A_215], %broadcast_in_dim3A_1 {strides = array<i32>} : memref<64x768xf32, #tpu.memory_space<vmem>>, vector<16xf32>,
      %swap3A_217 = arith.index_cast %scan3A_93 : i32 to index
      %swap3A_218 = arith.constant 656 : index
      %swap3A_219 = tpu.vector_load %arg13[%swap3A_217, %swap3A_218] {strides = array<i32>} : memref<64x768xf32, #tpu.memory_space<vmem>>, vector<16xf32>,
      tpu.vector_store %arg13[%swap3A_217, %swap3A_218], %broadcast_in_dim3A_1 {strides = array<i32>} : memref<64x768xf32, #tpu.memory_space<vmem>>, vector<16xf32>,
      %swap3A_220 = arith.index_cast %scan3A_93 : i32 to index
      %swap3A_221 = arith.constant 672 : index
      %swap3A_222 = tpu.vector_load %arg13[%swap3A_220, %swap3A_221] {strides = array<i32>} : memref<64x768xf32, #tpu.memory_space<vmem>>, vector<16xf32>,
      tpu.vector_store %arg13[%swap3A_220, %swap3A_221], %broadcast_in_dim3A_1 {strides = array<i32>} : memref<64x768xf32, #tpu.memory_space<vmem>>, vector<16xf32>,
      %swap3A_223 = arith.index_cast %scan3A_93 : i32 to index
      %swap3A_224 = arith.constant 688 : index
      %swap3A_225 = tpu.vector_load %arg13[%swap3A_223, %swap3A_224] {strides = array<i32>} : memref<64x768xf32, #tpu.memory_space<vmem>>, vector<16xf32>,
      tpu.vector_store %arg13[%swap3A_223, %swap3A_224], %broadcast_in_dim3A_1 {strides = array<i32>} : memref<64x768xf32, #tpu.memory_space<vmem>>, vector<16xf32>,
      %swap3A_226 = arith.index_cast %scan3A_93 : i32 to index
      %swap3A_227 = arith.constant 704 : index
      %swap3A_228 = tpu.vector_load %arg13[%swap3A_226, %swap3A_227] {strides = array<i32>} : memref<64x768xf32, #tpu.memory_space<vmem>>, vector<16xf32>,
      tpu.vector_store %arg13[%swap3A_226, %swap3A_227], %broadcast_in_dim3A_1 {strides = array<i32>} : memref<64x768xf32, #tpu.memory_space<vmem>>, vector<16xf32>,
      %swap3A_229 = arith.index_cast %scan3A_93 : i32 to index
      %swap3A_230 = arith.constant 720 : index
      %swap3A_231 = tpu.vector_load %arg13[%swap3A_229, %swap3A_230] {strides = array<i32>} : memref<64x768xf32, #tpu.memory_space<vmem>>, vector<16xf32>,
      tpu.vector_store %arg13[%swap3A_229, %swap3A_230], %broadcast_in_dim3A_1 {strides = array<i32>} : memref<64x768xf32, #tpu.memory_space<vmem>>, vector<16xf32>,
      %swap3A_232 = arith.index_cast %scan3A_93 : i32 to index
      %swap3A_233 = arith.constant 736 : index
      %swap3A_234 = tpu.vector_load %arg13[%swap3A_232, %swap3A_233] {strides = array<i32>} : memref<64x768xf32, #tpu.memory_space<vmem>>, vector<16xf32>,
      tpu.vector_store %arg13[%swap3A_232, %swap3A_233], %broadcast_in_dim3A_1 {strides = array<i32>} : memref<64x768xf32, #tpu.memory_space<vmem>>, vector<16xf32>,
      %swap3A_235 = arith.index_cast %scan3A_93 : i32 to index
      %swap3A_236 = arith.constant 752 : index
      %swap3A_237 = tpu.vector_load %arg13[%swap3A_235, %swap3A_236] {strides = array<i32>} : memref<64x768xf32, #tpu.memory_space<vmem>>, vector<16xf32>,
      tpu.vector_store %arg13[%swap3A_235, %swap3A_236], %broadcast_in_dim3A_1 {strides = array<i32>} : memref<64x768xf32, #tpu.memory_space<vmem>>, vector<16xf32>,
      %scan3A_238 = arith.constant 0 : i32
      scf.yield %scan3A_238 : i32
    }
    %scan3A_18 = arith.constant 64 : i32
    %mul3A_19 = arith.constant 768 : i32
    %mul3A_20 = arith.muli %add3A, %mul3A_19 : i32
    %dma_wait3A = arith.constant 0 : i32
    %dma_wait3A_21 = tpu.memref_slice %arg2[%dma_wait3A] : memref<500000xi32, #tpu.memory_space<hbm>> -> memref<768xi32, #tpu.memory_space<hbm>>
    %dma_wait3A_22 = arith.constant 0 : i32
    %dma_wait3A_23 = tpu.memref_slice %arg2[%dma_wait3A_22] : memref<500000xi32, #tpu.memory_space<hbm>> -> memref<768xi32, #tpu.memory_space<hbm>>
    tpu.wait_dma2 semaphore(%arg18 : memref<!tpu.dma_semaphore, #tpu.memory_space<semaphore_mem>>) src(%dma_wait3A_23 : memref<768xi32, #tpu.memory_space<hbm>>) dst(%arg8 : memref<768xi32, #tpu.memory_space<vmem>>)
    %parallel_loop3A = arith.constant 0 : i32
    %parallel_loop3A_24 = arith.constant 48 : i32
    %parallel_loop3A_25 = arith.constant 1 : i32
    scf.for %parallel_loop3A_93 = %parallel_loop3A to %parallel_loop3A_24 step %parallel_loop3A_25  : i32 {
      %parallel_loop3A_94 = arith.constant 16 : i32
      %parallel_loop3A_95 = arith.muli %parallel_loop3A_93, %parallel_loop3A_94 : i32
      %parallel_loop3A_96 = vector.broadcast %parallel_loop3A_95 : i32 to vector<16xi32>
      %parallel_loop3A_97 = arith.addi %parallel_loop3A_96, %iota3A : vector<16xi32>
      %parallel_loop3A_98 = arith.constant 16 : i32
      %parallel_loop3A_99 = arith.muli %parallel_loop3A_93, %parallel_loop3A_98 : i32
      %parallel_loop3A_100 = arith.index_cast %parallel_loop3A_99 : i32 to index
      %parallel_loop3A_101 = tpu.vector_load %arg8[%parallel_loop3A_100] {strides = array<i32>} : memref<768xi32, #tpu.memory_space<vmem>>, vector<16xi32>,
      %parallel_loop3A_102 = tpu.vector_load_idx %arg6[%parallel_loop3A_101] : memref<65xi32, #tpu.memory_space<vmem>>[vector<16xi32>], vector<16xi32>,
      %parallel_loop3A_103 = tpu.vector_load_idx %arg7[%parallel_loop3A_102, %parallel_loop3A_102] : memref<64x64xf32, #tpu.memory_space<vmem>>[vector<16xi32>, vector<16xi32>], vector<16xf32>,
      tpu.vector_store_idx %arg13[%parallel_loop3A_102, %parallel_loop3A_97], %parallel_loop3A_103 : memref<64x768xf32, #tpu.memory_space<vmem>>[vector<16xi32>, vector<16xi32>], vector<16xf32>,
      %parallel_loop3A_104 = arith.constant 16 : i32
      %parallel_loop3A_105 = arith.muli %parallel_loop3A_93, %parallel_loop3A_104 : i32
      %parallel_loop3A_106 = arith.index_cast %parallel_loop3A_105 : i32 to index
      %parallel_loop3A_107 = tpu.vector_load %arg11[%parallel_loop3A_106] {strides = array<i32>} : memref<768xi32, #tpu.memory_space<vmem>>, vector<16xi32>,
      tpu.vector_store %arg11[%parallel_loop3A_106], %parallel_loop3A_102 {strides = array<i32>} : memref<768xi32, #tpu.memory_space<vmem>>, vector<16xi32>,
    } {sc.loop_unroll_factor = 4 : i64, sc.parallel_access}
    %add3A_26 = arith.constant 64 : i32
    %add3A_27 = arith.addi %add3A, %add3A_26 : i32
    %lt3A = arith.constant 651 : i32
    %lt3A_28 = arith.cmpi slt, %add3A_27, %lt3A : i32
    %convert_element_type3A = arith.extui %lt3A_28 : i1 to i32
    %cond3A = arith.constant 0 : i32
    %cond3A_29 = arith.cmpi ne, %convert_element_type3A, %cond3A : i32
    scf.if %cond3A_29 {
      %mul3A_93 = arith.constant 768 : i32
      %mul3A_94 = arith.muli %add3A_27, %mul3A_93 : i32
      %dma_start3A_95 = tpu.memref_slice %arg2[%mul3A_94] : memref<500000xi32, #tpu.memory_space<hbm>> -> memref<768xi32, #tpu.memory_space<hbm>>
      %dma_start3A_96 = tpu.memref_slice %arg2[%mul3A_94] : memref<500000xi32, #tpu.memory_space<hbm>> -> memref<768xi32, #tpu.memory_space<hbm>>
      tpu.enqueue_dma source(%dma_start3A_96 : memref<768xi32, #tpu.memory_space<hbm>>) target(%arg8 : memref<768xi32, #tpu.memory_space<vmem>>) target_semaphore(%arg18 : memref<!tpu.dma_semaphore, #tpu.memory_space<semaphore_mem>>)
    } else {
    }
    %dma_start3A_30 = arith.constant 0 : i32
    %dma_start3A_31 = tpu.memref_slice %arg5[%dma_start3A_30, %mul3A_20] : memref<64x500000xf32, #tpu.memory_space<hbm>> -> memref<64x768xf32, #tpu.memory_space<hbm>>
    %dma_start3A_32 = arith.constant 0 : i32
    %dma_start3A_33 = tpu.memref_slice %arg5[%dma_start3A_32, %mul3A_20] : memref<64x500000xf32, #tpu.memory_space<hbm>> -> memref<64x768xf32, #tpu.memory_space<hbm>>
    tpu.enqueue_dma source(%arg13 : memref<64x768xf32, #tpu.memory_space<vmem>>) target(%dma_start3A_33 : memref<64x768xf32, #tpu.memory_space<hbm>>) target_semaphore(%arg16 : memref<!tpu.dma_semaphore, #tpu.memory_space<semaphore_mem>>)
    %scan3A_34 = arith.constant 0 : i32
    %scan3A_35 = arith.constant 0 : i32
    %scan3A_36 = arith.constant 64 : i32
    %scan3A_37 = arith.addi %scan3A_35, %scan3A_36 : i32
    %scan3A_38 = arith.constant 1 : i32
    %scan3A_39 = scf.for %scan3A_93 = %scan3A_35 to %scan3A_37 step %scan3A_38 iter_args(%scan3A_94 = %scan3A_34) -> (i32)  : i32 {
      %swap3A = arith.index_cast %scan3A_93 : i32 to index
      %swap3A_95 = arith.constant 0 : index
      %swap3A_96 = tpu.vector_load %arg14[%swap3A, %swap3A_95] {strides = array<i32>} : memref<64x768xf32, #tpu.memory_space<vmem>>, vector<16xf32>,
      tpu.vector_store %arg14[%swap3A, %swap3A_95], %broadcast_in_dim3A_1 {strides = array<i32>} : memref<64x768xf32, #tpu.memory_space<vmem>>, vector<16xf32>,
      %swap3A_97 = arith.index_cast %scan3A_93 : i32 to index
      %swap3A_98 = arith.constant 16 : index
      %swap3A_99 = tpu.vector_load %arg14[%swap3A_97, %swap3A_98] {strides = array<i32>} : memref<64x768xf32, #tpu.memory_space<vmem>>, vector<16xf32>,
      tpu.vector_store %arg14[%swap3A_97, %swap3A_98], %broadcast_in_dim3A_1 {strides = array<i32>} : memref<64x768xf32, #tpu.memory_space<vmem>>, vector<16xf32>,
      %swap3A_100 = arith.index_cast %scan3A_93 : i32 to index
      %swap3A_101 = arith.constant 32 : index
      %swap3A_102 = tpu.vector_load %arg14[%swap3A_100, %swap3A_101] {strides = array<i32>} : memref<64x768xf32, #tpu.memory_space<vmem>>, vector<16xf32>,
      tpu.vector_store %arg14[%swap3A_100, %swap3A_101], %broadcast_in_dim3A_1 {strides = array<i32>} : memref<64x768xf32, #tpu.memory_space<vmem>>, vector<16xf32>,
      %swap3A_103 = arith.index_cast %scan3A_93 : i32 to index
      %swap3A_104 = arith.constant 48 : index
      %swap3A_105 = tpu.vector_load %arg14[%swap3A_103, %swap3A_104] {strides = array<i32>} : memref<64x768xf32, #tpu.memory_space<vmem>>, vector<16xf32>,
      tpu.vector_store %arg14[%swap3A_103, %swap3A_104], %broadcast_in_dim3A_1 {strides = array<i32>} : memref<64x768xf32, #tpu.memory_space<vmem>>, vector<16xf32>,
      %swap3A_106 = arith.index_cast %scan3A_93 : i32 to index
      %swap3A_107 = arith.constant 64 : index
      %swap3A_108 = tpu.vector_load %arg14[%swap3A_106, %swap3A_107] {strides = array<i32>} : memref<64x768xf32, #tpu.memory_space<vmem>>, vector<16xf32>,
      tpu.vector_store %arg14[%swap3A_106, %swap3A_107], %broadcast_in_dim3A_1 {strides = array<i32>} : memref<64x768xf32, #tpu.memory_space<vmem>>, vector<16xf32>,
      %swap3A_109 = arith.index_cast %scan3A_93 : i32 to index
      %swap3A_110 = arith.constant 80 : index
      %swap3A_111 = tpu.vector_load %arg14[%swap3A_109, %swap3A_110] {strides = array<i32>} : memref<64x768xf32, #tpu.memory_space<vmem>>, vector<16xf32>,
      tpu.vector_store %arg14[%swap3A_109, %swap3A_110], %broadcast_in_dim3A_1 {strides = array<i32>} : memref<64x768xf32, #tpu.memory_space<vmem>>, vector<16xf32>,
      %swap3A_112 = arith.index_cast %scan3A_93 : i32 to index
      %swap3A_113 = arith.constant 96 : index
      %swap3A_114 = tpu.vector_load %arg14[%swap3A_112, %swap3A_113] {strides = array<i32>} : memref<64x768xf32, #tpu.memory_space<vmem>>, vector<16xf32>,
      tpu.vector_store %arg14[%swap3A_112, %swap3A_113], %broadcast_in_dim3A_1 {strides = array<i32>} : memref<64x768xf32, #tpu.memory_space<vmem>>, vector<16xf32>,
      %swap3A_115 = arith.index_cast %scan3A_93 : i32 to index
      %swap3A_116 = arith.constant 112 : index
      %swap3A_117 = tpu.vector_load %arg14[%swap3A_115, %swap3A_116] {strides = array<i32>} : memref<64x768xf32, #tpu.memory_space<vmem>>, vector<16xf32>,
      tpu.vector_store %arg14[%swap3A_115, %swap3A_116], %broadcast_in_dim3A_1 {strides = array<i32>} : memref<64x768xf32, #tpu.memory_space<vmem>>, vector<16xf32>,
      %swap3A_118 = arith.index_cast %scan3A_93 : i32 to index
      %swap3A_119 = arith.constant 128 : index
      %swap3A_120 = tpu.vector_load %arg14[%swap3A_118, %swap3A_119] {strides = array<i32>} : memref<64x768xf32, #tpu.memory_space<vmem>>, vector<16xf32>,
      tpu.vector_store %arg14[%swap3A_118, %swap3A_119], %broadcast_in_dim3A_1 {strides = array<i32>} : memref<64x768xf32, #tpu.memory_space<vmem>>, vector<16xf32>,
      %swap3A_121 = arith.index_cast %scan3A_93 : i32 to index
      %swap3A_122 = arith.constant 144 : index
      %swap3A_123 = tpu.vector_load %arg14[%swap3A_121, %swap3A_122] {strides = array<i32>} : memref<64x768xf32, #tpu.memory_space<vmem>>, vector<16xf32>,
      tpu.vector_store %arg14[%swap3A_121, %swap3A_122], %broadcast_in_dim3A_1 {strides = array<i32>} : memref<64x768xf32, #tpu.memory_space<vmem>>, vector<16xf32>,
      %swap3A_124 = arith.index_cast %scan3A_93 : i32 to index
      %swap3A_125 = arith.constant 160 : index
      %swap3A_126 = tpu.vector_load %arg14[%swap3A_124, %swap3A_125] {strides = array<i32>} : memref<64x768xf32, #tpu.memory_space<vmem>>, vector<16xf32>,
      tpu.vector_store %arg14[%swap3A_124, %swap3A_125], %broadcast_in_dim3A_1 {strides = array<i32>} : memref<64x768xf32, #tpu.memory_space<vmem>>, vector<16xf32>,
      %swap3A_127 = arith.index_cast %scan3A_93 : i32 to index
      %swap3A_128 = arith.constant 176 : index
      %swap3A_129 = tpu.vector_load %arg14[%swap3A_127, %swap3A_128] {strides = array<i32>} : memref<64x768xf32, #tpu.memory_space<vmem>>, vector<16xf32>,
      tpu.vector_store %arg14[%swap3A_127, %swap3A_128], %broadcast_in_dim3A_1 {strides = array<i32>} : memref<64x768xf32, #tpu.memory_space<vmem>>, vector<16xf32>,
      %swap3A_130 = arith.index_cast %scan3A_93 : i32 to index
      %swap3A_131 = arith.constant 192 : index
      %swap3A_132 = tpu.vector_load %arg14[%swap3A_130, %swap3A_131] {strides = array<i32>} : memref<64x768xf32, #tpu.memory_space<vmem>>, vector<16xf32>,
      tpu.vector_store %arg14[%swap3A_130, %swap3A_131], %broadcast_in_dim3A_1 {strides = array<i32>} : memref<64x768xf32, #tpu.memory_space<vmem>>, vector<16xf32>,
      %swap3A_133 = arith.index_cast %scan3A_93 : i32 to index
      %swap3A_134 = arith.constant 208 : index
      %swap3A_135 = tpu.vector_load %arg14[%swap3A_133, %swap3A_134] {strides = array<i32>} : memref<64x768xf32, #tpu.memory_space<vmem>>, vector<16xf32>,
      tpu.vector_store %arg14[%swap3A_133, %swap3A_134], %broadcast_in_dim3A_1 {strides = array<i32>} : memref<64x768xf32, #tpu.memory_space<vmem>>, vector<16xf32>,
      %swap3A_136 = arith.index_cast %scan3A_93 : i32 to index
      %swap3A_137 = arith.constant 224 : index
      %swap3A_138 = tpu.vector_load %arg14[%swap3A_136, %swap3A_137] {strides = array<i32>} : memref<64x768xf32, #tpu.memory_space<vmem>>, vector<16xf32>,
      tpu.vector_store %arg14[%swap3A_136, %swap3A_137], %broadcast_in_dim3A_1 {strides = array<i32>} : memref<64x768xf32, #tpu.memory_space<vmem>>, vector<16xf32>,
      %swap3A_139 = arith.index_cast %scan3A_93 : i32 to index
      %swap3A_140 = arith.constant 240 : index
      %swap3A_141 = tpu.vector_load %arg14[%swap3A_139, %swap3A_140] {strides = array<i32>} : memref<64x768xf32, #tpu.memory_space<vmem>>, vector<16xf32>,
      tpu.vector_store %arg14[%swap3A_139, %swap3A_140], %broadcast_in_dim3A_1 {strides = array<i32>} : memref<64x768xf32, #tpu.memory_space<vmem>>, vector<16xf32>,
      %swap3A_142 = arith.index_cast %scan3A_93 : i32 to index
      %swap3A_143 = arith.constant 256 : index
      %swap3A_144 = tpu.vector_load %arg14[%swap3A_142, %swap3A_143] {strides = array<i32>} : memref<64x768xf32, #tpu.memory_space<vmem>>, vector<16xf32>,
      tpu.vector_store %arg14[%swap3A_142, %swap3A_143], %broadcast_in_dim3A_1 {strides = array<i32>} : memref<64x768xf32, #tpu.memory_space<vmem>>, vector<16xf32>,
      %swap3A_145 = arith.index_cast %scan3A_93 : i32 to index
      %swap3A_146 = arith.constant 272 : index
      %swap3A_147 = tpu.vector_load %arg14[%swap3A_145, %swap3A_146] {strides = array<i32>} : memref<64x768xf32, #tpu.memory_space<vmem>>, vector<16xf32>,
      tpu.vector_store %arg14[%swap3A_145, %swap3A_146], %broadcast_in_dim3A_1 {strides = array<i32>} : memref<64x768xf32, #tpu.memory_space<vmem>>, vector<16xf32>,
      %swap3A_148 = arith.index_cast %scan3A_93 : i32 to index
      %swap3A_149 = arith.constant 288 : index
      %swap3A_150 = tpu.vector_load %arg14[%swap3A_148, %swap3A_149] {strides = array<i32>} : memref<64x768xf32, #tpu.memory_space<vmem>>, vector<16xf32>,
      tpu.vector_store %arg14[%swap3A_148, %swap3A_149], %broadcast_in_dim3A_1 {strides = array<i32>} : memref<64x768xf32, #tpu.memory_space<vmem>>, vector<16xf32>,
      %swap3A_151 = arith.index_cast %scan3A_93 : i32 to index
      %swap3A_152 = arith.constant 304 : index
      %swap3A_153 = tpu.vector_load %arg14[%swap3A_151, %swap3A_152] {strides = array<i32>} : memref<64x768xf32, #tpu.memory_space<vmem>>, vector<16xf32>,
      tpu.vector_store %arg14[%swap3A_151, %swap3A_152], %broadcast_in_dim3A_1 {strides = array<i32>} : memref<64x768xf32, #tpu.memory_space<vmem>>, vector<16xf32>,
      %swap3A_154 = arith.index_cast %scan3A_93 : i32 to index
      %swap3A_155 = arith.constant 320 : index
      %swap3A_156 = tpu.vector_load %arg14[%swap3A_154, %swap3A_155] {strides = array<i32>} : memref<64x768xf32, #tpu.memory_space<vmem>>, vector<16xf32>,
      tpu.vector_store %arg14[%swap3A_154, %swap3A_155], %broadcast_in_dim3A_1 {strides = array<i32>} : memref<64x768xf32, #tpu.memory_space<vmem>>, vector<16xf32>,
      %swap3A_157 = arith.index_cast %scan3A_93 : i32 to index
      %swap3A_158 = arith.constant 336 : index
      %swap3A_159 = tpu.vector_load %arg14[%swap3A_157, %swap3A_158] {strides = array<i32>} : memref<64x768xf32, #tpu.memory_space<vmem>>, vector<16xf32>,
      tpu.vector_store %arg14[%swap3A_157, %swap3A_158], %broadcast_in_dim3A_1 {strides = array<i32>} : memref<64x768xf32, #tpu.memory_space<vmem>>, vector<16xf32>,
      %swap3A_160 = arith.index_cast %scan3A_93 : i32 to index
      %swap3A_161 = arith.constant 352 : index
      %swap3A_162 = tpu.vector_load %arg14[%swap3A_160, %swap3A_161] {strides = array<i32>} : memref<64x768xf32, #tpu.memory_space<vmem>>, vector<16xf32>,
      tpu.vector_store %arg14[%swap3A_160, %swap3A_161], %broadcast_in_dim3A_1 {strides = array<i32>} : memref<64x768xf32, #tpu.memory_space<vmem>>, vector<16xf32>,
      %swap3A_163 = arith.index_cast %scan3A_93 : i32 to index
      %swap3A_164 = arith.constant 368 : index
      %swap3A_165 = tpu.vector_load %arg14[%swap3A_163, %swap3A_164] {strides = array<i32>} : memref<64x768xf32, #tpu.memory_space<vmem>>, vector<16xf32>,
      tpu.vector_store %arg14[%swap3A_163, %swap3A_164], %broadcast_in_dim3A_1 {strides = array<i32>} : memref<64x768xf32, #tpu.memory_space<vmem>>, vector<16xf32>,
      %swap3A_166 = arith.index_cast %scan3A_93 : i32 to index
      %swap3A_167 = arith.constant 384 : index
      %swap3A_168 = tpu.vector_load %arg14[%swap3A_166, %swap3A_167] {strides = array<i32>} : memref<64x768xf32, #tpu.memory_space<vmem>>, vector<16xf32>,
      tpu.vector_store %arg14[%swap3A_166, %swap3A_167], %broadcast_in_dim3A_1 {strides = array<i32>} : memref<64x768xf32, #tpu.memory_space<vmem>>, vector<16xf32>,
      %swap3A_169 = arith.index_cast %scan3A_93 : i32 to index
      %swap3A_170 = arith.constant 400 : index
      %swap3A_171 = tpu.vector_load %arg14[%swap3A_169, %swap3A_170] {strides = array<i32>} : memref<64x768xf32, #tpu.memory_space<vmem>>, vector<16xf32>,
      tpu.vector_store %arg14[%swap3A_169, %swap3A_170], %broadcast_in_dim3A_1 {strides = array<i32>} : memref<64x768xf32, #tpu.memory_space<vmem>>, vector<16xf32>,
      %swap3A_172 = arith.index_cast %scan3A_93 : i32 to index
      %swap3A_173 = arith.constant 416 : index
      %swap3A_174 = tpu.vector_load %arg14[%swap3A_172, %swap3A_173] {strides = array<i32>} : memref<64x768xf32, #tpu.memory_space<vmem>>, vector<16xf32>,
      tpu.vector_store %arg14[%swap3A_172, %swap3A_173], %broadcast_in_dim3A_1 {strides = array<i32>} : memref<64x768xf32, #tpu.memory_space<vmem>>, vector<16xf32>,
      %swap3A_175 = arith.index_cast %scan3A_93 : i32 to index
      %swap3A_176 = arith.constant 432 : index
      %swap3A_177 = tpu.vector_load %arg14[%swap3A_175, %swap3A_176] {strides = array<i32>} : memref<64x768xf32, #tpu.memory_space<vmem>>, vector<16xf32>,
      tpu.vector_store %arg14[%swap3A_175, %swap3A_176], %broadcast_in_dim3A_1 {strides = array<i32>} : memref<64x768xf32, #tpu.memory_space<vmem>>, vector<16xf32>,
      %swap3A_178 = arith.index_cast %scan3A_93 : i32 to index
      %swap3A_179 = arith.constant 448 : index
      %swap3A_180 = tpu.vector_load %arg14[%swap3A_178, %swap3A_179] {strides = array<i32>} : memref<64x768xf32, #tpu.memory_space<vmem>>, vector<16xf32>,
      tpu.vector_store %arg14[%swap3A_178, %swap3A_179], %broadcast_in_dim3A_1 {strides = array<i32>} : memref<64x768xf32, #tpu.memory_space<vmem>>, vector<16xf32>,
      %swap3A_181 = arith.index_cast %scan3A_93 : i32 to index
      %swap3A_182 = arith.constant 464 : index
      %swap3A_183 = tpu.vector_load %arg14[%swap3A_181, %swap3A_182] {strides = array<i32>} : memref<64x768xf32, #tpu.memory_space<vmem>>, vector<16xf32>,
      tpu.vector_store %arg14[%swap3A_181, %swap3A_182], %broadcast_in_dim3A_1 {strides = array<i32>} : memref<64x768xf32, #tpu.memory_space<vmem>>, vector<16xf32>,
      %swap3A_184 = arith.index_cast %scan3A_93 : i32 to index
      %swap3A_185 = arith.constant 480 : index
      %swap3A_186 = tpu.vector_load %arg14[%swap3A_184, %swap3A_185] {strides = array<i32>} : memref<64x768xf32, #tpu.memory_space<vmem>>, vector<16xf32>,
      tpu.vector_store %arg14[%swap3A_184, %swap3A_185], %broadcast_in_dim3A_1 {strides = array<i32>} : memref<64x768xf32, #tpu.memory_space<vmem>>, vector<16xf32>,
      %swap3A_187 = arith.index_cast %scan3A_93 : i32 to index
      %swap3A_188 = arith.constant 496 : index
      %swap3A_189 = tpu.vector_load %arg14[%swap3A_187, %swap3A_188] {strides = array<i32>} : memref<64x768xf32, #tpu.memory_space<vmem>>, vector<16xf32>,
      tpu.vector_store %arg14[%swap3A_187, %swap3A_188], %broadcast_in_dim3A_1 {strides = array<i32>} : memref<64x768xf32, #tpu.memory_space<vmem>>, vector<16xf32>,
      %swap3A_190 = arith.index_cast %scan3A_93 : i32 to index
      %swap3A_191 = arith.constant 512 : index
      %swap3A_192 = tpu.vector_load %arg14[%swap3A_190, %swap3A_191] {strides = array<i32>} : memref<64x768xf32, #tpu.memory_space<vmem>>, vector<16xf32>,
      tpu.vector_store %arg14[%swap3A_190, %swap3A_191], %broadcast_in_dim3A_1 {strides = array<i32>} : memref<64x768xf32, #tpu.memory_space<vmem>>, vector<16xf32>,
      %swap3A_193 = arith.index_cast %scan3A_93 : i32 to index
      %swap3A_194 = arith.constant 528 : index
      %swap3A_195 = tpu.vector_load %arg14[%swap3A_193, %swap3A_194] {strides = array<i32>} : memref<64x768xf32, #tpu.memory_space<vmem>>, vector<16xf32>,
      tpu.vector_store %arg14[%swap3A_193, %swap3A_194], %broadcast_in_dim3A_1 {strides = array<i32>} : memref<64x768xf32, #tpu.memory_space<vmem>>, vector<16xf32>,
      %swap3A_196 = arith.index_cast %scan3A_93 : i32 to index
      %swap3A_197 = arith.constant 544 : index
      %swap3A_198 = tpu.vector_load %arg14[%swap3A_196, %swap3A_197] {strides = array<i32>} : memref<64x768xf32, #tpu.memory_space<vmem>>, vector<16xf32>,
      tpu.vector_store %arg14[%swap3A_196, %swap3A_197], %broadcast_in_dim3A_1 {strides = array<i32>} : memref<64x768xf32, #tpu.memory_space<vmem>>, vector<16xf32>,
      %swap3A_199 = arith.index_cast %scan3A_93 : i32 to index
      %swap3A_200 = arith.constant 560 : index
      %swap3A_201 = tpu.vector_load %arg14[%swap3A_199, %swap3A_200] {strides = array<i32>} : memref<64x768xf32, #tpu.memory_space<vmem>>, vector<16xf32>,
      tpu.vector_store %arg14[%swap3A_199, %swap3A_200], %broadcast_in_dim3A_1 {strides = array<i32>} : memref<64x768xf32, #tpu.memory_space<vmem>>, vector<16xf32>,
      %swap3A_202 = arith.index_cast %scan3A_93 : i32 to index
      %swap3A_203 = arith.constant 576 : index
      %swap3A_204 = tpu.vector_load %arg14[%swap3A_202, %swap3A_203] {strides = array<i32>} : memref<64x768xf32, #tpu.memory_space<vmem>>, vector<16xf32>,
      tpu.vector_store %arg14[%swap3A_202, %swap3A_203], %broadcast_in_dim3A_1 {strides = array<i32>} : memref<64x768xf32, #tpu.memory_space<vmem>>, vector<16xf32>,
      %swap3A_205 = arith.index_cast %scan3A_93 : i32 to index
      %swap3A_206 = arith.constant 592 : index
      %swap3A_207 = tpu.vector_load %arg14[%swap3A_205, %swap3A_206] {strides = array<i32>} : memref<64x768xf32, #tpu.memory_space<vmem>>, vector<16xf32>,
      tpu.vector_store %arg14[%swap3A_205, %swap3A_206], %broadcast_in_dim3A_1 {strides = array<i32>} : memref<64x768xf32, #tpu.memory_space<vmem>>, vector<16xf32>,
      %swap3A_208 = arith.index_cast %scan3A_93 : i32 to index
      %swap3A_209 = arith.constant 608 : index
      %swap3A_210 = tpu.vector_load %arg14[%swap3A_208, %swap3A_209] {strides = array<i32>} : memref<64x768xf32, #tpu.memory_space<vmem>>, vector<16xf32>,
      tpu.vector_store %arg14[%swap3A_208, %swap3A_209], %broadcast_in_dim3A_1 {strides = array<i32>} : memref<64x768xf32, #tpu.memory_space<vmem>>, vector<16xf32>,
      %swap3A_211 = arith.index_cast %scan3A_93 : i32 to index
      %swap3A_212 = arith.constant 624 : index
      %swap3A_213 = tpu.vector_load %arg14[%swap3A_211, %swap3A_212] {strides = array<i32>} : memref<64x768xf32, #tpu.memory_space<vmem>>, vector<16xf32>,
      tpu.vector_store %arg14[%swap3A_211, %swap3A_212], %broadcast_in_dim3A_1 {strides = array<i32>} : memref<64x768xf32, #tpu.memory_space<vmem>>, vector<16xf32>,
      %swap3A_214 = arith.index_cast %scan3A_93 : i32 to index
      %swap3A_215 = arith.constant 640 : index
      %swap3A_216 = tpu.vector_load %arg14[%swap3A_214, %swap3A_215] {strides = array<i32>} : memref<64x768xf32, #tpu.memory_space<vmem>>, vector<16xf32>,
      tpu.vector_store %arg14[%swap3A_214, %swap3A_215], %broadcast_in_dim3A_1 {strides = array<i32>} : memref<64x768xf32, #tpu.memory_space<vmem>>, vector<16xf32>,
      %swap3A_217 = arith.index_cast %scan3A_93 : i32 to index
      %swap3A_218 = arith.constant 656 : index
      %swap3A_219 = tpu.vector_load %arg14[%swap3A_217, %swap3A_218] {strides = array<i32>} : memref<64x768xf32, #tpu.memory_space<vmem>>, vector<16xf32>,
      tpu.vector_store %arg14[%swap3A_217, %swap3A_218], %broadcast_in_dim3A_1 {strides = array<i32>} : memref<64x768xf32, #tpu.memory_space<vmem>>, vector<16xf32>,
      %swap3A_220 = arith.index_cast %scan3A_93 : i32 to index
      %swap3A_221 = arith.constant 672 : index
      %swap3A_222 = tpu.vector_load %arg14[%swap3A_220, %swap3A_221] {strides = array<i32>} : memref<64x768xf32, #tpu.memory_space<vmem>>, vector<16xf32>,
      tpu.vector_store %arg14[%swap3A_220, %swap3A_221], %broadcast_in_dim3A_1 {strides = array<i32>} : memref<64x768xf32, #tpu.memory_space<vmem>>, vector<16xf32>,
      %swap3A_223 = arith.index_cast %scan3A_93 : i32 to index
      %swap3A_224 = arith.constant 688 : index
      %swap3A_225 = tpu.vector_load %arg14[%swap3A_223, %swap3A_224] {strides = array<i32>} : memref<64x768xf32, #tpu.memory_space<vmem>>, vector<16xf32>,
      tpu.vector_store %arg14[%swap3A_223, %swap3A_224], %broadcast_in_dim3A_1 {strides = array<i32>} : memref<64x768xf32, #tpu.memory_space<vmem>>, vector<16xf32>,
      %swap3A_226 = arith.index_cast %scan3A_93 : i32 to index
      %swap3A_227 = arith.constant 704 : index
      %swap3A_228 = tpu.vector_load %arg14[%swap3A_226, %swap3A_227] {strides = array<i32>} : memref<64x768xf32, #tpu.memory_space<vmem>>, vector<16xf32>,
      tpu.vector_store %arg14[%swap3A_226, %swap3A_227], %broadcast_in_dim3A_1 {strides = array<i32>} : memref<64x768xf32, #tpu.memory_space<vmem>>, vector<16xf32>,
      %swap3A_229 = arith.index_cast %scan3A_93 : i32 to index
      %swap3A_230 = arith.constant 720 : index
      %swap3A_231 = tpu.vector_load %arg14[%swap3A_229, %swap3A_230] {strides = array<i32>} : memref<64x768xf32, #tpu.memory_space<vmem>>, vector<16xf32>,
      tpu.vector_store %arg14[%swap3A_229, %swap3A_230], %broadcast_in_dim3A_1 {strides = array<i32>} : memref<64x768xf32, #tpu.memory_space<vmem>>, vector<16xf32>,
      %swap3A_232 = arith.index_cast %scan3A_93 : i32 to index
      %swap3A_233 = arith.constant 736 : index
      %swap3A_234 = tpu.vector_load %arg14[%swap3A_232, %swap3A_233] {strides = array<i32>} : memref<64x768xf32, #tpu.memory_space<vmem>>, vector<16xf32>,
      tpu.vector_store %arg14[%swap3A_232, %swap3A_233], %broadcast_in_dim3A_1 {strides = array<i32>} : memref<64x768xf32, #tpu.memory_space<vmem>>, vector<16xf32>,
      %swap3A_235 = arith.index_cast %scan3A_93 : i32 to index
      %swap3A_236 = arith.constant 752 : index
      %swap3A_237 = tpu.vector_load %arg14[%swap3A_235, %swap3A_236] {strides = array<i32>} : memref<64x768xf32, #tpu.memory_space<vmem>>, vector<16xf32>,
      tpu.vector_store %arg14[%swap3A_235, %swap3A_236], %broadcast_in_dim3A_1 {strides = array<i32>} : memref<64x768xf32, #tpu.memory_space<vmem>>, vector<16xf32>,
      %scan3A_238 = arith.constant 0 : i32
      scf.yield %scan3A_238 : i32
    }
    %scan3A_40 = arith.constant 64 : i32
    %scan3A_41 = arith.constant 0 : i32
    %scan3A_42 = arith.constant 0 : i32
    %scan3A_43 = arith.constant 64 : i32
    %scan3A_44 = arith.addi %scan3A_42, %scan3A_43 : i32
    %scan3A_45 = arith.constant 1 : i32
    %scan3A_46 = scf.for %scan3A_93 = %scan3A_42 to %scan3A_44 step %scan3A_45 iter_args(%scan3A_94 = %scan3A_41) -> (i32)  : i32 {
      %swap3A = arith.index_cast %scan3A_93 : i32 to index
      %swap3A_95 = arith.constant 0 : index
      %swap3A_96 = tpu.vector_load %arg15[%swap3A, %swap3A_95] {strides = array<i32>} : memref<64x32xf32, #tpu.memory_space<vmem>>, vector<16xf32>,
      tpu.vector_store %arg15[%swap3A, %swap3A_95], %broadcast_in_dim3A_1 {strides = array<i32>} : memref<64x32xf32, #tpu.memory_space<vmem>>, vector<16xf32>,
      %swap3A_97 = arith.index_cast %scan3A_93 : i32 to index
      %swap3A_98 = arith.constant 16 : index
      %swap3A_99 = tpu.vector_load %arg15[%swap3A_97, %swap3A_98] {strides = array<i32>} : memref<64x32xf32, #tpu.memory_space<vmem>>, vector<16xf32>,
      tpu.vector_store %arg15[%swap3A_97, %swap3A_98], %broadcast_in_dim3A_1 {strides = array<i32>} : memref<64x32xf32, #tpu.memory_space<vmem>>, vector<16xf32>,
      %scan3A_100 = arith.constant 0 : i32
      scf.yield %scan3A_100 : i32
    }
    %scan3A_47 = arith.constant 64 : i32
    %add3A_48 = arith.constant 32 : i32
    %add3A_49 = arith.addi %add3A, %add3A_48 : i32
    %mul3A_50 = arith.constant 768 : i32
    %mul3A_51 = arith.muli %add3A_49, %mul3A_50 : i32
    %dma_wait3A_52 = arith.constant 0 : i32
    %dma_wait3A_53 = tpu.memref_slice %arg2[%dma_wait3A_52] : memref<500000xi32, #tpu.memory_space<hbm>> -> memref<768xi32, #tpu.memory_space<hbm>>
    %dma_wait3A_54 = arith.constant 0 : i32
    %dma_wait3A_55 = tpu.memref_slice %arg2[%dma_wait3A_54] : memref<500000xi32, #tpu.memory_space<hbm>> -> memref<768xi32, #tpu.memory_space<hbm>>
    tpu.wait_dma2 semaphore(%arg19 : memref<!tpu.dma_semaphore, #tpu.memory_space<semaphore_mem>>) src(%dma_wait3A_55 : memref<768xi32, #tpu.memory_space<hbm>>) dst(%arg9 : memref<768xi32, #tpu.memory_space<vmem>>)
    %parallel_loop3A_56 = arith.constant 0 : i32
    %parallel_loop3A_57 = arith.constant 48 : i32
    %parallel_loop3A_58 = arith.constant 1 : i32
    scf.for %parallel_loop3A_93 = %parallel_loop3A_56 to %parallel_loop3A_57 step %parallel_loop3A_58  : i32 {
      %parallel_loop3A_94 = arith.constant 16 : i32
      %parallel_loop3A_95 = arith.muli %parallel_loop3A_93, %parallel_loop3A_94 : i32
      %parallel_loop3A_96 = vector.broadcast %parallel_loop3A_95 : i32 to vector<16xi32>
      %parallel_loop3A_97 = arith.addi %parallel_loop3A_96, %iota3A : vector<16xi32>
      %parallel_loop3A_98 = arith.constant 16 : i32
      %parallel_loop3A_99 = arith.muli %parallel_loop3A_93, %parallel_loop3A_98 : i32
      %parallel_loop3A_100 = arith.index_cast %parallel_loop3A_99 : i32 to index
      %parallel_loop3A_101 = tpu.vector_load %arg9[%parallel_loop3A_100] {strides = array<i32>} : memref<768xi32, #tpu.memory_space<vmem>>, vector<16xi32>,
      %parallel_loop3A_102 = tpu.vector_load_idx %arg6[%parallel_loop3A_101] : memref<65xi32, #tpu.memory_space<vmem>>[vector<16xi32>], vector<16xi32>,
      %parallel_loop3A_103 = tpu.vector_load_idx %arg7[%parallel_loop3A_102, %parallel_loop3A_102] : memref<64x64xf32, #tpu.memory_space<vmem>>[vector<16xi32>, vector<16xi32>], vector<16xf32>,
      tpu.vector_store_idx %arg14[%parallel_loop3A_102, %parallel_loop3A_97], %parallel_loop3A_103 : memref<64x768xf32, #tpu.memory_space<vmem>>[vector<16xi32>, vector<16xi32>], vector<16xf32>,
      %parallel_loop3A_104 = arith.constant 16 : i32
      %parallel_loop3A_105 = arith.muli %parallel_loop3A_93, %parallel_loop3A_104 : i32
      %parallel_loop3A_106 = arith.index_cast %parallel_loop3A_105 : i32 to index
      %parallel_loop3A_107 = tpu.vector_load %arg12[%parallel_loop3A_106] {strides = array<i32>} : memref<768xi32, #tpu.memory_space<vmem>>, vector<16xi32>,
      tpu.vector_store %arg12[%parallel_loop3A_106], %parallel_loop3A_102 {strides = array<i32>} : memref<768xi32, #tpu.memory_space<vmem>>, vector<16xi32>,
    } {sc.loop_unroll_factor = 4 : i64, sc.parallel_access}
    %add3A_59 = arith.constant 64 : i32
    %add3A_60 = arith.addi %add3A_49, %add3A_59 : i32
    %lt3A_61 = arith.constant 651 : i32
    %lt3A_62 = arith.cmpi slt, %add3A_60, %lt3A_61 : i32
    %convert_element_type3A_63 = arith.extui %lt3A_62 : i1 to i32
    %cond3A_64 = arith.constant 0 : i32
    %cond3A_65 = arith.cmpi ne, %convert_element_type3A_63, %cond3A_64 : i32
    scf.if %cond3A_65 {
      %mul3A_93 = arith.constant 768 : i32
      %mul3A_94 = arith.muli %add3A_60, %mul3A_93 : i32
      %dma_start3A_95 = tpu.memref_slice %arg2[%mul3A_94] : memref<500000xi32, #tpu.memory_space<hbm>> -> memref<768xi32, #tpu.memory_space<hbm>>
      %dma_start3A_96 = tpu.memref_slice %arg2[%mul3A_94] : memref<500000xi32, #tpu.memory_space<hbm>> -> memref<768xi32, #tpu.memory_space<hbm>>
      tpu.enqueue_dma source(%dma_start3A_96 : memref<768xi32, #tpu.memory_space<hbm>>) target(%arg9 : memref<768xi32, #tpu.memory_space<vmem>>) target_semaphore(%arg19 : memref<!tpu.dma_semaphore, #tpu.memory_space<semaphore_mem>>)
    } else {
    }
    %dma_start3A_66 = arith.constant 0 : i32
    %dma_start3A_67 = tpu.memref_slice %arg5[%dma_start3A_66, %mul3A_51] : memref<64x500000xf32, #tpu.memory_space<hbm>> -> memref<64x768xf32, #tpu.memory_space<hbm>>
    %dma_start3A_68 = arith.constant 0 : i32
    %dma_start3A_69 = tpu.memref_slice %arg5[%dma_start3A_68, %mul3A_51] : memref<64x500000xf32, #tpu.memory_space<hbm>> -> memref<64x768xf32, #tpu.memory_space<hbm>>
    tpu.enqueue_dma source(%arg14 : memref<64x768xf32, #tpu.memory_space<vmem>>) target(%dma_start3A_69 : memref<64x768xf32, #tpu.memory_space<hbm>>) target_semaphore(%arg17 : memref<!tpu.dma_semaphore, #tpu.memory_space<semaphore_mem>>)
    %scan3A_70 = arith.constant 0 : i32
    %scan3A_71 = arith.constant 1 : i32
    %scan3A_72 = arith.constant 10 : i32
    %scan3A_73 = arith.addi %scan3A_71, %scan3A_72 : i32
    %scan3A_74 = arith.constant 1 : i32
    %scan3A_75 = scf.for %scan3A_93 = %scan3A_71 to %scan3A_73 step %scan3A_74 iter_args(%scan3A_94 = %scan3A_70) -> (i32)  : i32 {
      %mul3A_95 = arith.constant 2 : i32
      %mul3A_96 = arith.muli %mul3A_95, %scan3A_93 : i32
      %add3A_97 = arith.constant 0 : i32
      %add3A_98 = arith.addi %mul3A_96, %add3A_97 : i32
      %mul3A_99 = arith.constant 32 : i32
      %mul3A_100 = arith.muli %add3A_98, %mul3A_99 : i32
      %add3A_101 = arith.addi %add3A, %mul3A_100 : i32
      %lt3A_102 = arith.constant 651 : i32
      %lt3A_103 = arith.cmpi slt, %add3A_101, %lt3A_102 : i32
      %convert_element_type3A_104 = arith.extui %lt3A_103 : i1 to i32
      %cond3A_105 = arith.constant 0 : i32
      %cond3A_106 = arith.cmpi ne, %convert_element_type3A_104, %cond3A_105 : i32
      scf.if %cond3A_106 {
        %mul3A_120 = arith.constant 768 : i32
        %mul3A_121 = arith.muli %add3A_101, %mul3A_120 : i32
        %dma_wait3A_122 = arith.constant 0 : i32
        %dma_wait3A_123 = tpu.memref_slice %arg2[%dma_wait3A_122] : memref<500000xi32, #tpu.memory_space<hbm>> -> memref<768xi32, #tpu.memory_space<hbm>>
        %dma_wait3A_124 = arith.constant 0 : i32
        %dma_wait3A_125 = tpu.memref_slice %arg2[%dma_wait3A_124] : memref<500000xi32, #tpu.memory_space<hbm>> -> memref<768xi32, #tpu.memory_space<hbm>>
        tpu.wait_dma2 semaphore(%arg18 : memref<!tpu.dma_semaphore, #tpu.memory_space<semaphore_mem>>) src(%dma_wait3A_125 : memref<768xi32, #tpu.memory_space<hbm>>) dst(%arg8 : memref<768xi32, #tpu.memory_space<vmem>>)
        %dma_wait3A_126 = arith.constant 0 : i32
        %dma_wait3A_127 = arith.constant 0 : i32
        %dma_wait3A_128 = tpu.memref_slice %arg5[%dma_wait3A_126, %dma_wait3A_127] : memref<64x500000xf32, #tpu.memory_space<hbm>> -> memref<64x768xf32, #tpu.memory_space<hbm>>
        %dma_wait3A_129 = arith.constant 0 : i32
        %dma_wait3A_130 = arith.constant 0 : i32
        %dma_wait3A_131 = tpu.memref_slice %arg5[%dma_wait3A_129, %dma_wait3A_130] : memref<64x500000xf32, #tpu.memory_space<hbm>> -> memref<64x768xf32, #tpu.memory_space<hbm>>
        tpu.wait_dma2 semaphore(%arg16 : memref<!tpu.dma_semaphore, #tpu.memory_space<semaphore_mem>>) src(%arg13 : memref<64x768xf32, #tpu.memory_space<vmem>>) dst(%dma_wait3A_131 : memref<64x768xf32, #tpu.memory_space<hbm>>)
        %parallel_loop3A_132 = arith.constant 0 : i32
        %parallel_loop3A_133 = arith.constant 48 : i32
        %parallel_loop3A_134 = arith.constant 1 : i32
        scf.for %parallel_loop3A_149 = %parallel_loop3A_132 to %parallel_loop3A_133 step %parallel_loop3A_134  : i32 {
          %parallel_loop3A_150 = arith.constant 16 : i32
          %parallel_loop3A_151 = arith.muli %parallel_loop3A_149, %parallel_loop3A_150 : i32
          %parallel_loop3A_152 = vector.broadcast %parallel_loop3A_151 : i32 to vector<16xi32>
          %parallel_loop3A_153 = arith.addi %parallel_loop3A_152, %iota3A : vector<16xi32>
          %parallel_loop3A_154 = arith.constant 16 : i32
          %parallel_loop3A_155 = arith.muli %parallel_loop3A_149, %parallel_loop3A_154 : i32
          %parallel_loop3A_156 = arith.index_cast %parallel_loop3A_155 : i32 to index
          %parallel_loop3A_157 = tpu.vector_load %arg11[%parallel_loop3A_156] {strides = array<i32>} : memref<768xi32, #tpu.memory_space<vmem>>, vector<16xi32>,
          tpu.vector_store_idx %arg13[%parallel_loop3A_157, %parallel_loop3A_153], %broadcast_in_dim3A_1 : memref<64x768xf32, #tpu.memory_space<vmem>>[vector<16xi32>, vector<16xi32>], vector<16xf32>,
        } {sc.loop_unroll_factor = 4 : i64, sc.parallel_access}
        %parallel_loop3A_135 = arith.constant 0 : i32
        %parallel_loop3A_136 = arith.constant 48 : i32
        %parallel_loop3A_137 = arith.constant 1 : i32
        scf.for %parallel_loop3A_149 = %parallel_loop3A_135 to %parallel_loop3A_136 step %parallel_loop3A_137  : i32 {
          %parallel_loop3A_150 = arith.constant 16 : i32
          %parallel_loop3A_151 = arith.muli %parallel_loop3A_149, %parallel_loop3A_150 : i32
          %parallel_loop3A_152 = vector.broadcast %parallel_loop3A_151 : i32 to vector<16xi32>
          %parallel_loop3A_153 = arith.addi %parallel_loop3A_152, %iota3A : vector<16xi32>
          %parallel_loop3A_154 = arith.constant 16 : i32
          %parallel_loop3A_155 = arith.muli %parallel_loop3A_149, %parallel_loop3A_154 : i32
          %parallel_loop3A_156 = arith.index_cast %parallel_loop3A_155 : i32 to index
          %parallel_loop3A_157 = tpu.vector_load %arg8[%parallel_loop3A_156] {strides = array<i32>} : memref<768xi32, #tpu.memory_space<vmem>>, vector<16xi32>,
          %parallel_loop3A_158 = tpu.vector_load_idx %arg6[%parallel_loop3A_157] : memref<65xi32, #tpu.memory_space<vmem>>[vector<16xi32>], vector<16xi32>,
          %parallel_loop3A_159 = tpu.vector_load_idx %arg7[%parallel_loop3A_158, %parallel_loop3A_158] : memref<64x64xf32, #tpu.memory_space<vmem>>[vector<16xi32>, vector<16xi32>], vector<16xf32>,
          tpu.vector_store_idx %arg13[%parallel_loop3A_158, %parallel_loop3A_153], %parallel_loop3A_159 : memref<64x768xf32, #tpu.memory_space<vmem>>[vector<16xi32>, vector<16xi32>], vector<16xf32>,
          %parallel_loop3A_160 = arith.constant 16 : i32
          %parallel_loop3A_161 = arith.muli %parallel_loop3A_149, %parallel_loop3A_160 : i32
          %parallel_loop3A_162 = arith.index_cast %parallel_loop3A_161 : i32 to index
          %parallel_loop3A_163 = tpu.vector_load %arg11[%parallel_loop3A_162] {strides = array<i32>} : memref<768xi32, #tpu.memory_space<vmem>>, vector<16xi32>,
          tpu.vector_store %arg11[%parallel_loop3A_162], %parallel_loop3A_158 {strides = array<i32>} : memref<768xi32, #tpu.memory_space<vmem>>, vector<16xi32>,
        } {sc.loop_unroll_factor = 4 : i64, sc.parallel_access}
        %add3A_138 = arith.constant 64 : i32
        %add3A_139 = arith.addi %add3A_101, %add3A_138 : i32
        %lt3A_140 = arith.constant 651 : i32
        %lt3A_141 = arith.cmpi slt, %add3A_139, %lt3A_140 : i32
        %convert_element_type3A_142 = arith.extui %lt3A_141 : i1 to i32
        %cond3A_143 = arith.constant 0 : i32
        %cond3A_144 = arith.cmpi ne, %convert_element_type3A_142, %cond3A_143 : i32
        scf.if %cond3A_144 {
          %mul3A_149 = arith.constant 768 : i32
          %mul3A_150 = arith.muli %add3A_139, %mul3A_149 : i32
          %dma_start3A_151 = tpu.memref_slice %arg2[%mul3A_150] : memref<500000xi32, #tpu.memory_space<hbm>> -> memref<768xi32, #tpu.memory_space<hbm>>
          %dma_start3A_152 = tpu.memref_slice %arg2[%mul3A_150] : memref<500000xi32, #tpu.memory_space<hbm>> -> memref<768xi32, #tpu.memory_space<hbm>>
          tpu.enqueue_dma source(%dma_start3A_152 : memref<768xi32, #tpu.memory_space<hbm>>) target(%arg8 : memref<768xi32, #tpu.memory_space<vmem>>) target_semaphore(%arg18 : memref<!tpu.dma_semaphore, #tpu.memory_space<semaphore_mem>>)
        } else {
        }
        %dma_start3A_145 = arith.constant 0 : i32
        %dma_start3A_146 = tpu.memref_slice %arg5[%dma_start3A_145, %mul3A_121] : memref<64x500000xf32, #tpu.memory_space<hbm>> -> memref<64x768xf32, #tpu.memory_space<hbm>>
        %dma_start3A_147 = arith.constant 0 : i32
        %dma_start3A_148 = tpu.memref_slice %arg5[%dma_start3A_147, %mul3A_121] : memref<64x500000xf32, #tpu.memory_space<hbm>> -> memref<64x768xf32, #tpu.memory_space<hbm>>
        tpu.enqueue_dma source(%arg13 : memref<64x768xf32, #tpu.memory_space<vmem>>) target(%dma_start3A_148 : memref<64x768xf32, #tpu.memory_space<hbm>>) target_semaphore(%arg16 : memref<!tpu.dma_semaphore, #tpu.memory_space<semaphore_mem>>)
      } else {
      }
      %mul3A_107 = arith.constant 2 : i32
      %mul3A_108 = arith.muli %mul3A_107, %scan3A_93 : i32
      %add3A_109 = arith.constant 1 : i32
      %add3A_110 = arith.addi %mul3A_108, %add3A_109 : i32
      %mul3A_111 = arith.constant 32 : i32
      %mul3A_112 = arith.muli %add3A_110, %mul3A_111 : i32
      %add3A_113 = arith.addi %add3A, %mul3A_112 : i32
      %lt3A_114 = arith.constant 651 : i32
      %lt3A_115 = arith.cmpi slt, %add3A_113, %lt3A_114 : i32
      %convert_element_type3A_116 = arith.extui %lt3A_115 : i1 to i32
      %cond3A_117 = arith.constant 0 : i32
      %cond3A_118 = arith.cmpi ne, %convert_element_type3A_116, %cond3A_117 : i32
      scf.if %cond3A_118 {
        %mul3A_120 = arith.constant 768 : i32
        %mul3A_121 = arith.muli %add3A_113, %mul3A_120 : i32
        %dma_wait3A_122 = arith.constant 0 : i32
        %dma_wait3A_123 = tpu.memref_slice %arg2[%dma_wait3A_122] : memref<500000xi32, #tpu.memory_space<hbm>> -> memref<768xi32, #tpu.memory_space<hbm>>
        %dma_wait3A_124 = arith.constant 0 : i32
        %dma_wait3A_125 = tpu.memref_slice %arg2[%dma_wait3A_124] : memref<500000xi32, #tpu.memory_space<hbm>> -> memref<768xi32, #tpu.memory_space<hbm>>
        tpu.wait_dma2 semaphore(%arg19 : memref<!tpu.dma_semaphore, #tpu.memory_space<semaphore_mem>>) src(%dma_wait3A_125 : memref<768xi32, #tpu.memory_space<hbm>>) dst(%arg9 : memref<768xi32, #tpu.memory_space<vmem>>)
        %dma_wait3A_126 = arith.constant 0 : i32
        %dma_wait3A_127 = arith.constant 0 : i32
        %dma_wait3A_128 = tpu.memref_slice %arg5[%dma_wait3A_126, %dma_wait3A_127] : memref<64x500000xf32, #tpu.memory_space<hbm>> -> memref<64x768xf32, #tpu.memory_space<hbm>>
        %dma_wait3A_129 = arith.constant 0 : i32
        %dma_wait3A_130 = arith.constant 0 : i32
        %dma_wait3A_131 = tpu.memref_slice %arg5[%dma_wait3A_129, %dma_wait3A_130] : memref<64x500000xf32, #tpu.memory_space<hbm>> -> memref<64x768xf32, #tpu.memory_space<hbm>>
        tpu.wait_dma2 semaphore(%arg17 : memref<!tpu.dma_semaphore, #tpu.memory_space<semaphore_mem>>) src(%arg14 : memref<64x768xf32, #tpu.memory_space<vmem>>) dst(%dma_wait3A_131 : memref<64x768xf32, #tpu.memory_space<hbm>>)
        %parallel_loop3A_132 = arith.constant 0 : i32
        %parallel_loop3A_133 = arith.constant 48 : i32
        %parallel_loop3A_134 = arith.constant 1 : i32
        scf.for %parallel_loop3A_149 = %parallel_loop3A_132 to %parallel_loop3A_133 step %parallel_loop3A_134  : i32 {
          %parallel_loop3A_150 = arith.constant 16 : i32
          %parallel_loop3A_151 = arith.muli %parallel_loop3A_149, %parallel_loop3A_150 : i32
          %parallel_loop3A_152 = vector.broadcast %parallel_loop3A_151 : i32 to vector<16xi32>
          %parallel_loop3A_153 = arith.addi %parallel_loop3A_152, %iota3A : vector<16xi32>
          %parallel_loop3A_154 = arith.constant 16 : i32
          %parallel_loop3A_155 = arith.muli %parallel_loop3A_149, %parallel_loop3A_154 : i32
          %parallel_loop3A_156 = arith.index_cast %parallel_loop3A_155 : i32 to index
          %parallel_loop3A_157 = tpu.vector_load %arg12[%parallel_loop3A_156] {strides = array<i32>} : memref<768xi32, #tpu.memory_space<vmem>>, vector<16xi32>,
          tpu.vector_store_idx %arg14[%parallel_loop3A_157, %parallel_loop3A_153], %broadcast_in_dim3A_1 : memref<64x768xf32, #tpu.memory_space<vmem>>[vector<16xi32>, vector<16xi32>], vector<16xf32>,
        } {sc.loop_unroll_factor = 4 : i64, sc.parallel_access}
        %parallel_loop3A_135 = arith.constant 0 : i32
        %parallel_loop3A_136 = arith.constant 48 : i32
        %parallel_loop3A_137 = arith.constant 1 : i32
        scf.for %parallel_loop3A_149 = %parallel_loop3A_135 to %parallel_loop3A_136 step %parallel_loop3A_137  : i32 {
          %parallel_loop3A_150 = arith.constant 16 : i32
          %parallel_loop3A_151 = arith.muli %parallel_loop3A_149, %parallel_loop3A_150 : i32
          %parallel_loop3A_152 = vector.broadcast %parallel_loop3A_151 : i32 to vector<16xi32>
          %parallel_loop3A_153 = arith.addi %parallel_loop3A_152, %iota3A : vector<16xi32>
          %parallel_loop3A_154 = arith.constant 16 : i32
          %parallel_loop3A_155 = arith.muli %parallel_loop3A_149, %parallel_loop3A_154 : i32
          %parallel_loop3A_156 = arith.index_cast %parallel_loop3A_155 : i32 to index
          %parallel_loop3A_157 = tpu.vector_load %arg9[%parallel_loop3A_156] {strides = array<i32>} : memref<768xi32, #tpu.memory_space<vmem>>, vector<16xi32>,
          %parallel_loop3A_158 = tpu.vector_load_idx %arg6[%parallel_loop3A_157] : memref<65xi32, #tpu.memory_space<vmem>>[vector<16xi32>], vector<16xi32>,
          %parallel_loop3A_159 = tpu.vector_load_idx %arg7[%parallel_loop3A_158, %parallel_loop3A_158] : memref<64x64xf32, #tpu.memory_space<vmem>>[vector<16xi32>, vector<16xi32>], vector<16xf32>,
          tpu.vector_store_idx %arg14[%parallel_loop3A_158, %parallel_loop3A_153], %parallel_loop3A_159 : memref<64x768xf32, #tpu.memory_space<vmem>>[vector<16xi32>, vector<16xi32>], vector<16xf32>,
          %parallel_loop3A_160 = arith.constant 16 : i32
          %parallel_loop3A_161 = arith.muli %parallel_loop3A_149, %parallel_loop3A_160 : i32
          %parallel_loop3A_162 = arith.index_cast %parallel_loop3A_161 : i32 to index
          %parallel_loop3A_163 = tpu.vector_load %arg12[%parallel_loop3A_162] {strides = array<i32>} : memref<768xi32, #tpu.memory_space<vmem>>, vector<16xi32>,
          tpu.vector_store %arg12[%parallel_loop3A_162], %parallel_loop3A_158 {strides = array<i32>} : memref<768xi32, #tpu.memory_space<vmem>>, vector<16xi32>,
        } {sc.loop_unroll_factor = 4 : i64, sc.parallel_access}
        %add3A_138 = arith.constant 64 : i32
        %add3A_139 = arith.addi %add3A_113, %add3A_138 : i32
        %lt3A_140 = arith.constant 651 : i32
        %lt3A_141 = arith.cmpi slt, %add3A_139, %lt3A_140 : i32
        %convert_element_type3A_142 = arith.extui %lt3A_141 : i1 to i32
        %cond3A_143 = arith.constant 0 : i32
        %cond3A_144 = arith.cmpi ne, %convert_element_type3A_142, %cond3A_143 : i32
        scf.if %cond3A_144 {
          %mul3A_149 = arith.constant 768 : i32
          %mul3A_150 = arith.muli %add3A_139, %mul3A_149 : i32
          %dma_start3A_151 = tpu.memref_slice %arg2[%mul3A_150] : memref<500000xi32, #tpu.memory_space<hbm>> -> memref<768xi32, #tpu.memory_space<hbm>>
          %dma_start3A_152 = tpu.memref_slice %arg2[%mul3A_150] : memref<500000xi32, #tpu.memory_space<hbm>> -> memref<768xi32, #tpu.memory_space<hbm>>
          tpu.enqueue_dma source(%dma_start3A_152 : memref<768xi32, #tpu.memory_space<hbm>>) target(%arg9 : memref<768xi32, #tpu.memory_space<vmem>>) target_semaphore(%arg19 : memref<!tpu.dma_semaphore, #tpu.memory_space<semaphore_mem>>)
        } else {
        }
        %dma_start3A_145 = arith.constant 0 : i32
        %dma_start3A_146 = tpu.memref_slice %arg5[%dma_start3A_145, %mul3A_121] : memref<64x500000xf32, #tpu.memory_space<hbm>> -> memref<64x768xf32, #tpu.memory_space<hbm>>
        %dma_start3A_147 = arith.constant 0 : i32
        %dma_start3A_148 = tpu.memref_slice %arg5[%dma_start3A_147, %mul3A_121] : memref<64x500000xf32, #tpu.memory_space<hbm>> -> memref<64x768xf32, #tpu.memory_space<hbm>>
        tpu.enqueue_dma source(%arg14 : memref<64x768xf32, #tpu.memory_space<vmem>>) target(%dma_start3A_148 : memref<64x768xf32, #tpu.memory_space<hbm>>) target_semaphore(%arg17 : memref<!tpu.dma_semaphore, #tpu.memory_space<semaphore_mem>>)
      } else {
      }
      %scan3A_119 = arith.constant 0 : i32
      scf.yield %scan3A_119 : i32
    }
    %scan3A_76 = arith.constant 10 : i32
    %eq3A = arith.constant 31 : i32
    %eq3A_77 = arith.cmpi eq, %add3A, %eq3A : i32
    %convert_element_type3A_78 = arith.extui %eq3A_77 : i1 to i32
    %cond3A_79 = arith.constant 0 : i32
    %cond3A_80 = arith.cmpi ne, %convert_element_type3A_78, %cond3A_79 : i32
    scf.if %cond3A_80 {
      "tpu.region"() ({
        %run_scoped3A = tpu.sem_alloc : memref<!tpu.dma_semaphore, #tpu.memory_space<semaphore_mem>>
        %dma_start3A_105 = arith.constant 499968 : i32
        %dma_start3A_106 = tpu.memref_slice %arg2[%dma_start3A_105] : memref<500000xi32, #tpu.memory_space<hbm>> -> memref<32xi32, #tpu.memory_space<hbm>>
        %dma_start3A_107 = arith.constant 499968 : i32
        %dma_start3A_108 = tpu.memref_slice %arg2[%dma_start3A_107] : memref<500000xi32, #tpu.memory_space<hbm>> -> memref<32xi32, #tpu.memory_space<hbm>>
        tpu.enqueue_dma source(%dma_start3A_108 : memref<32xi32, #tpu.memory_space<hbm>>) target(%arg10 : memref<32xi32, #tpu.memory_space<vmem>>) target_semaphore(%run_scoped3A : memref<!tpu.dma_semaphore, #tpu.memory_space<semaphore_mem>>)
        %dma_wait3A_109 = arith.constant 499968 : i32
        %dma_wait3A_110 = tpu.memref_slice %arg2[%dma_wait3A_109] : memref<500000xi32, #tpu.memory_space<hbm>> -> memref<32xi32, #tpu.memory_space<hbm>>
        %dma_wait3A_111 = arith.constant 499968 : i32
        %dma_wait3A_112 = tpu.memref_slice %arg2[%dma_wait3A_111] : memref<500000xi32, #tpu.memory_space<hbm>> -> memref<32xi32, #tpu.memory_space<hbm>>
        tpu.wait_dma2 semaphore(%run_scoped3A : memref<!tpu.dma_semaphore, #tpu.memory_space<semaphore_mem>>) src(%dma_wait3A_112 : memref<32xi32, #tpu.memory_space<hbm>>) dst(%arg10 : memref<32xi32, #tpu.memory_space<vmem>>)
        tpu.yield
      }) : () -> ()
      %get3A = arith.constant 0 : index
      %get3A_93 = tpu.vector_load %arg10[%get3A] {strides = array<i32>} : memref<32xi32, #tpu.memory_space<vmem>>, vector<16xi32>,
      %gather3A = tpu.vector_load_idx %arg6[%get3A_93] : memref<65xi32, #tpu.memory_space<vmem>>[vector<16xi32>], vector<16xi32>,
      %add3A_94 = arith.constant 0 : i32
      %add3A_95 = vector.broadcast %add3A_94 : i32 to vector<16xi32>
      %add3A_96 = arith.addi %add3A_95, %iota3A : vector<16xi32>
      %gather3A_97 = tpu.vector_load_idx %arg7[%gather3A, %gather3A] : memref<64x64xf32, #tpu.memory_space<vmem>>[vector<16xi32>, vector<16xi32>], vector<16xf32>,
      tpu.vector_store_idx %arg15[%gather3A, %add3A_96], %gather3A_97 : memref<64x32xf32, #tpu.memory_space<vmem>>[vector<16xi32>, vector<16xi32>], vector<16xf32>,
      %get3A_98 = arith.constant 16 : index
      %get3A_99 = tpu.vector_load %arg10[%get3A_98] {strides = array<i32>} : memref<32xi32, #tpu.memory_space<vmem>>, vector<16xi32>,
      %gather3A_100 = tpu.vector_load_idx %arg6[%get3A_99] : memref<65xi32, #tpu.memory_space<vmem>>[vector<16xi32>], vector<16xi32>,
      %add3A_101 = arith.constant 16 : i32
      %add3A_102 = vector.broadcast %add3A_101 : i32 to vector<16xi32>
      %add3A_103 = arith.addi %add3A_102, %iota3A : vector<16xi32>
      %gather3A_104 = tpu.vector_load_idx %arg7[%gather3A_100, %gather3A_100] : memref<64x64xf32, #tpu.memory_space<vmem>>[vector<16xi32>, vector<16xi32>], vector<16xf32>,
      tpu.vector_store_idx %arg15[%gather3A_100, %add3A_103], %gather3A_104 : memref<64x32xf32, #tpu.memory_space<vmem>>[vector<16xi32>, vector<16xi32>], vector<16xf32>,
      "tpu.region"() ({
        %run_scoped3A = tpu.sem_alloc : memref<!tpu.dma_semaphore, #tpu.memory_space<semaphore_mem>>
        %dma_start3A_105 = arith.constant 0 : i32
        %dma_start3A_106 = arith.constant 499968 : i32
        %dma_start3A_107 = tpu.memref_slice %arg5[%dma_start3A_105, %dma_start3A_106] : memref<64x500000xf32, #tpu.memory_space<hbm>> -> memref<64x32xf32, #tpu.memory_space<hbm>>
        %dma_start3A_108 = arith.constant 0 : i32
        %dma_start3A_109 = arith.constant 499968 : i32
        %dma_start3A_110 = tpu.memref_slice %arg5[%dma_start3A_108, %dma_start3A_109] : memref<64x500000xf32, #tpu.memory_space<hbm>> -> memref<64x32xf32, #tpu.memory_space<hbm>>
        tpu.enqueue_dma source(%arg15 : memref<64x32xf32, #tpu.memory_space<vmem>>) target(%dma_start3A_110 : memref<64x32xf32, #tpu.memory_space<hbm>>) target_semaphore(%run_scoped3A : memref<!tpu.dma_semaphore, #tpu.memory_space<semaphore_mem>>)
        %dma_wait3A_111 = arith.constant 0 : i32
        %dma_wait3A_112 = arith.constant 499968 : i32
        %dma_wait3A_113 = tpu.memref_slice %arg5[%dma_wait3A_111, %dma_wait3A_112] : memref<64x500000xf32, #tpu.memory_space<hbm>> -> memref<64x32xf32, #tpu.memory_space<hbm>>
        %dma_wait3A_114 = arith.constant 0 : i32
        %dma_wait3A_115 = arith.constant 499968 : i32
        %dma_wait3A_116 = tpu.memref_slice %arg5[%dma_wait3A_114, %dma_wait3A_115] : memref<64x500000xf32, #tpu.memory_space<hbm>> -> memref<64x32xf32, #tpu.memory_space<hbm>>
        tpu.wait_dma2 semaphore(%run_scoped3A : memref<!tpu.dma_semaphore, #tpu.memory_space<semaphore_mem>>) src(%arg15 : memref<64x32xf32, #tpu.memory_space<vmem>>) dst(%dma_wait3A_116 : memref<64x32xf32, #tpu.memory_space<hbm>>)
        tpu.yield
      }) : () -> ()
    } else {
    }
    %dma_wait3A_81 = arith.constant 0 : i32
    %dma_wait3A_82 = arith.constant 0 : i32
    %dma_wait3A_83 = tpu.memref_slice %arg5[%dma_wait3A_81, %dma_wait3A_82] : memref<64x500000xf32, #tpu.memory_space<hbm>> -> memref<64x768xf32, #tpu.memory_space<hbm>>
    %dma_wait3A_84 = arith.constant 0 : i32
    %dma_wait3A_85 = arith.constant 0 : i32
    %dma_wait3A_86 = tpu.memref_slice %arg5[%dma_wait3A_84, %dma_wait3A_85] : memref<64x500000xf32, #tpu.memory_space<hbm>> -> memref<64x768xf32, #tpu.memory_space<hbm>>
    tpu.wait_dma2 semaphore(%arg16 : memref<!tpu.dma_semaphore, #tpu.memory_space<semaphore_mem>>) src(%arg13 : memref<64x768xf32, #tpu.memory_space<vmem>>) dst(%dma_wait3A_86 : memref<64x768xf32, #tpu.memory_space<hbm>>)
    %dma_wait3A_87 = arith.constant 0 : i32
    %dma_wait3A_88 = arith.constant 0 : i32
    %dma_wait3A_89 = tpu.memref_slice %arg5[%dma_wait3A_87, %dma_wait3A_88] : memref<64x500000xf32, #tpu.memory_space<hbm>> -> memref<64x768xf32, #tpu.memory_space<hbm>>
    %dma_wait3A_90 = arith.constant 0 : i32
    %dma_wait3A_91 = arith.constant 0 : i32
    %dma_wait3A_92 = tpu.memref_slice %arg5[%dma_wait3A_90, %dma_wait3A_91] : memref<64x500000xf32, #tpu.memory_space<hbm>> -> memref<64x768xf32, #tpu.memory_space<hbm>>
    tpu.wait_dma2 semaphore(%arg17 : memref<!tpu.dma_semaphore, #tpu.memory_space<semaphore_mem>>) src(%arg14 : memref<64x768xf32, #tpu.memory_space<vmem>>) dst(%dma_wait3A_92 : memref<64x768xf32, #tpu.memory_space<hbm>>)
    return
  }
}

</mosaic_0001>

<sc_bundles>
// kernel: kernel.3.cloned.1.call-start
scs
__scs_entry_jumppad:
0x0: {  	(pc) =	sbr.rel $0x88, $3  }
0x1: {  	(tag) =	ssettag $0x0;
	lr =	simm.s32 $0x1  }
0x2: {  	[smem:$0x3F9E] =	sst lr;
	_ =	strace $0xD0000000  }
0x3: {  	_ = 	snop  }
0x4: {  	_ = 	snop  }
0x5: {  	_ = 	snop  }
0x6: {  	_ = 	snop  }
0x7: {  	_ = 	snop  }
__scs_overlays_trampoline_lowered:
0x8: {  	[smem:$0x3FAD] =	sst s0  }
0x9: {  	[smem:$0x3FAE] =	sst s1  }
0xa: {  	[smem:$0x3FAF] =	sst s2  }
0xb: {  	[smem:$0x3FB0] =	sst s3  }
0xc: {  	[smem:$0x3FB1] =	sst s4  }
0xd: {  	[smem:$0x3FB2] =	sst s5  }
0xe: {  	[smem:$0x3FB3] =	sst s6  }
0xf: {  	[smem:$0x3FB4] =	sst s7  }
0x10: {  	[smem:$0x3FB5] =	sst s8  }
0x11: {  	[smem:$0x3FB6] =	sst s9;
	s0 =	simm.s32 @!p0 $0x0  }
0x12: {  	s1 =	sld [smem:$0x3F9C];
	s0 =	simm.s32 @p0 $0x1  }
0x13: {  	[smem:$0x3FB7] =	sst s0;
	s0 =	simm.s32 @!p1 $0x0  }
0x14: {  	s2 =	sld [smem:$0x3F9B];
	s0 =	simm.s32 @p1 $0x1  }
0x15: {  	[smem:$0x3FB8] =	sst s0;
	s0 =	simm.s32 @!p2 $0x0  }
0x16: {  	s3 =	sld [smem:$0x3FDB];
	s0 =	simm.s32 @p2 $0x1  }
0x17: {  	s4 =	simm.s32 $0x1BF5;
	[smem:$0x3FBA] =	sst s0  }
0x18: {  	s0 =	sld [smem:$0x3F9D];
	_ =	swait.ge [sflag:s4], $0x0  }
0x19: {  	s7 =	sld [smem:$0x3F9E]  }
0x1a: {  	s8 =	sadd.s32 $0xFFFFE003, lr  }
0x1b: {  	s9 =	sadd.s32 $0xFFFFFEF7, lr;
	s5 =	simm.s32 $0xFFFFFFFF;
	p2 =	slt.u32 s8, $0xFFFFF086  }
0x1c: {  	p1 =	slt.u32 s9, $0xF7A;
	s5 =	simm.s32 @!p2 $0x0  }
0x1d: {  	s5 =	simm.s32 @p1 $0x1;
	p0 =	seq.s32 s7, s2  }
0x1e: {  	s7 =	smul.u32 @!p0 $0xF7A, s2;
	p2 =	seq.s32 @!p0 s5, $0x0  }
0x1f: {  	s9 =	smul.u32 $0xF7A, s1;
	s8 =	simm.s32 @!p0 $0x1BF5;
	p2 =	por !p2, p0  }
0x20: {  	[sflag:s8] =	ssyncset.s32 @!p0 $0xFFFFF086;
	s6 =	sadd.s32 @!p0 s3, s7;
	s7 =	simm.s32 @!p0 $0x108  }
0x21: {  	s3 =	sadd.s32 s3, s9;
	s6 =	sadd.s32 @!p0 $0x88, s6;
	s7 =	simm.s32 @p2 $0x1082  }
0x22: {  	[simem:s7], [sflag:s8] =	dma.local @!p0 [hbm:s6], $0xF7A  }
0x23: {  	s9 =	sor.u32 $0xD0000000, s2;
	s6 =	simm.s32 $0x108;
	_ =	swait.ge @!p0 [sflag:s8], $0x0  }
0x24: {  	s3 =	sadd.s32 $0x88, s3;
	s6 =	simm.s32 @!p1 $0x1082;
	[sflag:s4] =	ssyncset.s32 $0xFFFFF086  }
0x25: {  	[simem:s6], [sflag:s4] =	dma.local [hbm:s3], $0xF7A  }
0x26: {  	[smem:$0x3F9E] =	sst s1;
	(tag) =	ssettag s2;
	_ =	strace s9  }
0x27: {  	s1 =	sld [smem:$0x3FAE]  }
0x28: {  	s2 =	sld [smem:$0x3FAF]  }
0x29: {  	s4 =	sld [smem:$0x3FB1]  }
0x2a: {  	p0 =	seq.s32 s5, $0x0;
	s5 =	sld [smem:$0x3FB2]  }
0x2b: {  	s6 =	sld [smem:$0x3FB3]  }
0x2c: {  	s7 =	sld [smem:$0x3FB4]  }
0x2d: {  	s3 =	simm.s32 $0x108;
	s8 =	sld [smem:$0x3FB5]  }
0x2e: {  	s3 =	simm.s32 @!p0 $0x1082;
	s9 =	sld [smem:$0x3FB6]  }
0x2f: {  	lr =	sadd.s32 s0, s3;
	s0 =	sld [smem:$0x3FAD]  }
0x30: {  	s3 =	sld [smem:$0x3FB0]  }
0x31: {  	[smem:$0x3FB9] =	sst s10  }
0x32: {  	s10 =	sld [smem:$0x3FB7];
	_ =	sdelay $0x3  }
0x33: {  	p0 =	seq.s32 s10, $0x1;
	s10 =	sld [smem:$0x3FB9];
	_ =	sdelay $0x3  }
0x34: {  	[smem:$0x3FB9] =	sst s10  }
0x35: {  	s10 =	sld [smem:$0x3FB8];
	_ =	sdelay $0x3  }
0x36: {  	p1 =	seq.s32 s10, $0x1;
	s10 =	sld [smem:$0x3FB9];
	_ =	sdelay $0x3  }
0x37: {  	[smem:$0x3FB9] =	sst s10  }
0x38: {  	s10 =	sld [smem:$0x3FBA]  }
0x39: {  	_ = 	snop;
	(pc) =	sbr.ind lr, $3  }
0x3a: {  	_ = 	snop  }
0x3b: {  	_ = 	snop  }
0x3c: {  	p2 =	seq.s32 s10, $0x1;
	s10 =	sld [smem:$0x3FB9]  }
0x3d: {  	_ =	shalt  }
0x3e: {  	_ =	shalt  }
0x3f: {  	_ =	shalt  }
0x40: {  	_ =	shalt  }
0x41: {  	_ =	shalt  }
0x42: {  	_ =	shalt  }
0x43: {  	_ =	shalt  }
0x44: {  	_ =	shalt  }
0x45: {  	_ =	shalt  }
0x46: {  	_ =	shalt  }
0x47: {  	_ =	shalt  }
0x48: {  	_ =	shalt  }
0x49: {  	_ =	shalt  }
0x4a: {  	_ =	shalt  }
0x4b: {  	_ =	shalt  }
0x4c: {  	_ =	shalt  }
0x4d: {  	_ =	shalt  }
0x4e: {  	_ =	shalt  }
0x4f: {  	_ =	shalt  }
0x50: {  	_ =	shalt  }
0x51: {  	_ =	shalt  }
0x52: {  	_ =	shalt  }
0x53: {  	_ =	shalt  }
0x54: {  	_ =	shalt  }
0x55: {  	_ =	shalt  }
0x56: {  	_ =	shalt  }
0x57: {  	_ =	shalt  }
0x58: {  	_ =	shalt  }
0x59: {  	_ =	shalt  }
0x5a: {  	_ =	shalt  }
0x5b: {  	_ =	shalt  }
0x5c: {  	_ =	shalt  }
0x5d: {  	_ =	shalt  }
0x5e: {  	_ =	shalt  }
0x5f: {  	_ =	shalt  }
0x60: {  	_ =	shalt  }
0x61: {  	_ =	shalt  }
0x62: {  	_ =	shalt  }
0x63: {  	_ =	shalt  }
0x64: {  	_ =	shalt  }
0x65: {  	_ =	shalt  }
0x66: {  	_ =	shalt  }
0x67: {  	_ =	shalt  }
0x68: {  	_ =	shalt  }
0x69: {  	_ =	shalt  }
0x6a: {  	_ =	shalt  }
0x6b: {  	_ =	shalt  }
0x6c: {  	_ =	shalt  }
0x6d: {  	_ =	shalt  }
0x6e: {  	_ =	shalt  }
0x6f: {  	_ =	shalt  }
0x70: {  	_ =	shalt  }
0x71: {  	_ =	shalt  }
0x72: {  	_ =	shalt  }
0x73: {  	_ =	shalt  }
0x74: {  	_ =	shalt  }
0x75: {  	_ =	shalt  }
0x76: {  	_ =	shalt  }
0x77: {  	_ =	shalt  }
0x78: {  	_ =	shalt  }
0x79: {  	_ =	shalt  }
0x7a: {  	_ =	shalt  }
0x7b: {  	_ =	shalt  }
0x7c: {  	_ =	shalt  }
0x7d: {  	_ =	shalt  }
0x7e: {  	_ =	shalt  }
0x7f: {  	_ =	shalt  }
0x80: {  	_ =	shalt  }
0x81: {  	_ =	shalt  }
0x82: {  	_ =	shalt  }
0x83: {  	_ =	shalt  }
0x84: {  	_ =	shalt  }
0x85: {  	_ =	shalt  }
0x86: {  	_ =	shalt  }
0x87: {  	_ =	shalt  }
.Lfunc_end0:
.L_simem_size_0:
called_computation_lowered:
.L_overlay_start_0:
0x88: {  	s2 =	sld [smem:$0x3FD9]  }
0x89: {  	s3 =	sld [smem:$0x3FFE];
	_ =	sdelay $0x1  }
0x8a: {  	s1 =	srdreg.scid  }
0x8b: {  	s0 =	sand.u32 $0x1, s1  }
0x8c: {  	s18 =	sshll.u32 s0, $0xA;
	s2 =	sadd.s32 s3, s2  }
0x8d: {  	s2 =	sadd.s32 s2, s18  }
0x8e: {  	[smem:$0x3FC5] =	sst s2  }
0x8f: {  	_ = 	snop  }
0x90: {  	s2 =	sld [smem:$0x3FC9]  }
0x91: {  	s19 =	sld [smem:$0x3FC8]  }
0x92: {  	s4 =	sld [smem:$0x3FC7]  }
0x93: {  	s5 =	sld [smem:$0x3FD0];
	(tm) =	ssettm $0x1  }
0x94: {  	s6 =	sld [smem:$0x3FFB];
	_ =	sdelay $0x3  }
0x95: {  	_ =	strace s6  }
0x96: {  	s6 =	sld [smem:$0x3FFC];
	_ =	sdelay $0x3  }
0x97: {  	_ =	strace s6  }
0x98: {  	s6 =	sld [smem:$0x3FFD];
	_ =	sdelay $0x3  }
0x99: {  	_ =	strace s6  }
0x9a: {  	_ =	strace $0x8FFFFFFF  }
0x9b: {  	s20 =	sld [smem:$0x3FDB];
	_ =	sdelay $0x1  }
0x9c: {  	s7 =	simm.s32 $_scs_section_size  }
0x9d: {  	s8 =	simm.s32 $_size__tile_overlayer_lowered;
	s9 =	simm.s32 $_tile_overlayer_lowered  }
0x9e: {  	s23 =	simm.s32 $0x1BFF;
	s22 =	sshll.u32 s9, $0x1;
	s6 =	sadd.s32 s7, s20  }
0x9f: {  	s10 =	simm.s32 $0x0;
	s21 =	sshll.u32 s8, $0x1;
	s8 =	sadd.s32 s22, s6  }
0xa0: {  	[timem:s10], [sflag:s23] =	dma.local [hbm:s8], s21  }
0xa1: {  	_ =	swait.ge [sflag:s23], s21  }
0xa2: {  	s7 =	ssub.s32 $0x0, s21;
	[sflag:s23] =	ssyncset.done $0x0  }
0xa3: {  	[sflag:s23] =	ssyncadd.s32 s7;
	_ =	sdelay $0x1  }
0xa4: {  	s24 =	simm.s32 $0x1B8B  }
0xa5: {  	_ =	swait.ge [sflag:s24], $0x1  }
0xa6: {  	[sflag:s24] =	ssyncset.done $0x0  }
0xa7: {  	s25 =	simm.s32 $0x1B8E;
	[sflag:s24] =	ssyncadd.s32 $0xFFFFFFFF  }
0xa8: {  	s26 =	simm.s32 $execute0_lowered;
	[smem:$0x3FD2] =	sst s25  }
0xa9: {  	s7 =	sshll.u32 s26, $0x1;
	_ =	strace $0x80000046;
	[dreg:$0x1] =	wrdreg $0xFFFFFFFF  }
0xaa: {  	s28 =	simm.s32 $_size_execute0_lowered;
	s6 =	sadd.s32 s6, s7;
	[dreg:$0x0] =	wrdreg $0x0  }
0xab: {  	s7 =	sshll.u32 s28, $0x1;
	[dreg:$0x2] =	wrdreg s6  }
0xac: {  	[dreg:$0x3] =	wrdreg s7  }
0xad: {  	[dreg:$0x4] =	wrdreg $0xC0  }
0xae: {  	_ =	task [dreg:s10], $0x5FFFF  }
0xaf: {  	[dreg:$0x1] =	wrdreg $0xFFFFFFFF  }
0xb0: {  	[dreg:$0x0] =	wrdreg $0x60  }
0xb1: {  	[dreg:$0x2] =	wrdreg s2  }
0xb2: {  	[dreg:$0x3] =	wrdreg s19  }
0xb3: {  	[dreg:$0x4] =	wrdreg s4  }
0xb4: {  	[dreg:$0x5] =	wrdreg s5  }
0xb5: {  	[dreg:$0x6] =	wrdreg $0x9  }
0xb6: {  	_ =	task.clear_ibuf [dreg:s10], $0x7FFFF;
	_ =	strace $0x90000046  }
0xb7: {  	s29 =	simm.s32 $0x9;
	_ =	strace $0x80000048  }
0xb8: {  	_ =	swait.ge [sflag:s29], $0x1  }
0xb9: {  	[sflag:s29] =	ssyncadd.s32 $0xFFFFFFFF  }
0xba: {  	_ =	strace $0x90000048  }
0xbb: {  	_ =	sfence  }
0xbc: {  	s30 =	sld [smem:$0x0];
	_ =	sdelay $0x2  }
0xbd: {  	s31 =	sshll.u32 s1, $0xD;
	s1 =	sshrl.u32 s1, $0x2  }
0xbe: {  	s3 =	sand.u32 $0x4000, s31;
	s1 =	sadd.s32 s1, s30  }
0xbf: {  	s0 =	sor.u32 s3, s0;
	s1 =	sshll.u32 s1, $0x11  }
0xc0: {  	s0 =	sor.u32 s1, s0  }
0xc1: {  	s0 =	sadd.s32 $0x8F2B, s0  }
0xc2: {  	[sflag:s0] =	ssyncadd.remote.s32 $0x1  }
0xc3: {  	_ =	sfence.sel $0xFFFF  }
0xc4: {  	[dreg:$0x0] =	wrdreg $0xFFFFFFFF;
	(pc) =	sbr.abs _section_cstart, $3  }
0xc5: {  	[dreg:$0x1] =	wrdreg $0xFFFFFFFF  }
0xc6: {  	_ =	task.clear_ibuf [dreg:s10], $0x2FFFF;
	_ =	strace $0x9FFFFFFF  }
0xc7: {  	(tm) =	ssettm $0x7FFFFFFF  }
tec
execute0_lowered:
.L_overlay_start_1:
0x0: {  	(tag) =	ssettag $0x1  }
0x1: {  	s1 =	rddreg [dreg:$0x0];
	s0 =	srdreg.scid  }
0x2: {  	s2 =	stileid.u32;
	s5 =	rddreg [dreg:$0x3]  }
0x3: {  	s6 =	simm.s32 $0x0;
	s10 =	simm.s32 $0x2380;
	s19 =	simm.s32 $0x5  }
0x4: {  	s20 =	simm.s32 $0x80;
	s21 =	simm.s32 $0x3;
	s22 =	simm.s32 $0x2D00  }
0x5: {  	s23 =	simm.s32 $0x1800;
	s24 =	simm.s32 $0x3D0C00;
	s28 =	simm.s32 $0x1  }
0x6: {  	s29 =	simm.s32 $0x2;
	s0 =	sand.u32 $0x1, s0;
	s2 =	sshll.u32 s2, $0x1  }
0x7: {  	s30 =	simm.s32 $0x0;
	[smem:$0x7FF] =	sst s6;
	s7 =	sor.u32 s0, s2  }
0x8: {  	s14 =	sadd.s32 $0xF420, s1;
	s0 =	ssub.s32 $0x2, s0;
	s2 =	smul.u32 $0x300, s7  }
0x9: {  	s15 =	sadd.s32 $0x7A100, s5;
	s3 =	sshrl.u32 s0, $0x1;
	s4 =	smul.u32 $0x60, s7  }
0xa: {  	_ =	strace $0x80000047;
	p0 =	sne.s32 s7, $0x1F;
	s0 =	ssub.s32 s0, s3  }
0xb: {  	s8 =	sadd.s32 $0x6000, s2;
	s9 =	sshrl.u32 s2, $0x3;
	s4 =	sadd.s32 s1, s4  }
.Ltmp0:
0xc: {  	s11 =	sadd.s32 s5, s2;
	s16 =	smax.u32 s0, $0x1;
	(pc) =	sbr.rel .LBB2_1-.Ltmp0, $4  }
0xd: {  	s25 =	sshrl.u32 s8, $0x3;
	[dreg:$0x5] =	wrdreg s4;
	s26 =	sadd.s32 s1, s9  }
0xe: {  	s13 =	sadd.s32 s5, s8;
	s9 =	simm.s32 $0x2080;
	s3 =	sadd.s32 s1, s25  }
0xf: {  	s31 =	sadd.s32 $0x1800, s26;
	s12 =	sadd.s32 $0x2400, s26;
	[dreg:$0x6] =	wrdreg s3  }
0x10: {  	v0 =	vimm.f32 $0.0e+00;
	v1 =	vlaneseq.u32;
	s25 =	simm.s32 $0x4;
	s26 =	simm.s32 $0xED00;
	[dreg:$0x7] =	wrdreg s31  }
.LBB2_25:
0x11: {  	s0 =	simm.s32 @!p0 $0x0;
	s2 =	simm.s32 @!p0 $0x2680  }
0x12: {  	[tilespmem:s2], [sflag:$0x5] =	stream.linear.gather @!p0 [hbm4b:s14+s0], $0x20, $0x38;
	[tilespmem:$0x1CD00] =	vst v63  }
0x13: {  	s2 =	simm.s32 @!p0 $0x5  }
0x14: {  	_ =	swait.ge @!p0 [sflag:s2], $0x20  }
0x15: {  	[sflag:s2] =	ssyncset.done @!p0 $0x0  }
0x16: {  	[sflag:s2] =	ssyncadd.s32 @!p0 $0xFFFFFFE0  }
0x17: {  	v2 =	vld @!p0 [tilespmem:$0x2680];
	_ =	sdelay $0x7  }
0x18: {  	v2 =	vld.idx.msk @!p0 [tilespmem:v2+s0+$0x0], $0xffff;
	_ =	sdelay $0x4  }
0x19: {  	v3 =	vand.u32 @!p0 $0xFFFFFF80, v2;
	v4 =	vshll.u32 @!p0 v2, $0x7  }
0x1a: {  	v2 =	vand.u32 @!p0 $0x7F, v2;
	v3 =	vadd.s32 @!p0 v3, v4  }
0x1b: {  	v2 =	vor.u32 @!p0 v2, v3;
	_ =	sdelay $0x3  }
0x1c: {  	s3 =	simm.s32 @!p0 $0x80;
	v3 =	vlaneseq.u32 @!p0  }
0x1d: {  	v4 =	vor.u32 @!p0 v3, v4;
	v2 =	vld.idx.msk @!p0 [tilespmem:v2+s3+$0x0], $0xffff;
	_ =	sdelay $0x3  }
0x1e: {  	s4 =	simm.s32 @!p0 $0x1AD00  }
0x1f: {  	[tilespmem:v4+s4+$0x0] =	vst.idx.msk @!p0 $0xffff, v2  }
0x20: {  	v2 =	vld @!p0 [tilespmem:$0x2690];
	_ =	sdelay $0x7  }
0x21: {  	v2 =	vld.idx.msk @!p0 [tilespmem:v2+s0+$0x0], $0xffff;
	_ =	sdelay $0x4  }
0x22: {  	v4 =	vand.u32 @!p0 $0xFFFFFF80, v2;
	v5 =	vshll.u32 @!p0 v2, $0x7  }
0x23: {  	v2 =	vand.u32 @!p0 $0x7F, v2;
	v4 =	vadd.s32 @!p0 v4, v5  }
0x24: {  	v2 =	vor.u32 @!p0 v2, v4;
	_ =	sdelay $0x3  }
0x25: {  	v3 =	vor.u32 @!p0 $0x10, v3  }
0x26: {  	v3 =	vor.u32 @!p0 v3, v5;
	v2 =	vld.idx.msk @!p0 [tilespmem:v2+s3+$0x0], $0xffff;
	_ =	sdelay $0x4  }
0x27: {  	s0 =	simm.s32 @!p0 $0x400;
	s3 =	simm.s32 @!p0 $0x3D0C00;
	[tilespmem:v3+s4+$0x0] =	vst.idx.msk @!p0 $0xffff, v2  }
0x28: {  	[hbm4b:s15+s0] =	stream.strided.scatter @!p0 [tilespmem:s4], [sflag:$0x5], $0x2000, s3, s0, $0x38;
	[tilespmem:$0x1CD00] =	vst v63  }
0x29: {  	_ =	swait.ge @!p0 [sflag:s2], $0x2000  }
0x2a: {  	[sflag:s2] =	ssyncset.done @!p0 $0x0  }
0x2b: {  	s30 =	sadd.s32 $0x1, s30;
	[sflag:s2] =	ssyncadd.s32 @!p0 $0xFFFFE000  }
0x2c: {  	p1 =	sne.s32 s30, s16;
	_ =	swait.ge [sflag:s28], $0xC000  }
.Ltmp1:
0x2d: {  	[sflag:s28] =	ssyncset.done $0x0;
	(pc) =	sbr.rel @!p1 .LBB2_26-.Ltmp1, $4  }
0x2e: {  	[sflag:s28] =	ssyncadd.s32 $0xFFFF4000  }
0x2f: {  	_ =	swait.ge [sflag:s29], $0xC000  }
0x30: {  	[sflag:s29] =	ssyncset.done $0x0  }
0x31: {  	s9 =	simm.s32 $0x2080;
	s10 =	simm.s32 $0x2380;
	[sflag:s29] =	ssyncadd.s32 $0xFFFF4000  }
.LBB2_1:
0x32: {  	s0 =	rddreg [dreg:$0x5]  }
0x33: {  	[tilespmem:s9], [sflag:$0x3] =	stream.linear.gather [hbm4b:s0+s6], $0x300, $0x38;
	[tilespmem:$0x1CD00] =	vst v63  }
0x34: {  	s8 =	rddreg [dreg:$0x6]  }
0x35: {  	[tilespmem:s10], [sflag:$0x4] =	stream.linear.gather [hbm4b:s8+s6], $0x300, $0x38;
	[tilespmem:$0x1CD00] =	vst v63  }
0x36: {  	s17 =	rddreg [dreg:$0x1]  }
0x37: {  	[tilespmem:s6], [sflag:$0x5] =	stream.linear.gather [hbm4b:s17+s6], $0x80, $0x38;
	[tilespmem:$0x1CD00] =	vst v63  }
0x38: {  	_ =	swait.ge [sflag:s19], $0x80  }
0x39: {  	[sflag:s19] =	ssyncset.done $0x0  }
0x3a: {  	s31 =	simm.s32 $0x0;
	[sflag:s19] =	ssyncadd.s32 $0xFFFFFF80  }
0x3b: {  	s0 =	smul.u32 $0x6000, s31;
	s18 =	rddreg [dreg:$0x2]  }
0x3c: {  	[tilespmem:s20], [sflag:$0x5] =	stream.linear.gather [hbm4b:s18+s6], $0x2000, $0x38;
	[tilespmem:$0x1CD00] =	vst v63  }
0x3d: {  	_ =	swait.ge [sflag:s19], $0x2000  }
0x3e: {  	s2 =	sand.u32 $0x380, s6;
	s0 =	sshra.s32 s0, $0x2;
	[sflag:s19] =	ssyncset.done $0x0  }
0x3f: {  	s0 =	sor.u32 s2, s0;
	[sflag:s19] =	ssyncadd.s32 $0xFFFFE000  }
0x40: {  	[tilespmem:s0+$0x4170] =	vst v0  }
0x41: {  	[tilespmem:s0+$0x2D00] =	vst v0  }
0x42: {  	[tilespmem:s0+$0x2D10] =	vst v0  }
0x43: {  	[tilespmem:s0+$0x2D20] =	vst v0  }
0x44: {  	[tilespmem:s0+$0x2D30] =	vst v0  }
0x45: {  	[tilespmem:s0+$0x2D40] =	vst v0  }
0x46: {  	[tilespmem:s0+$0x2D50] =	vst v0  }
0x47: {  	[tilespmem:s0+$0x2D60] =	vst v0  }
0x48: {  	[tilespmem:s0+$0x2D70] =	vst v0  }
0x49: {  	[tilespmem:s0+$0x3100] =	vst v0  }
0x4a: {  	[tilespmem:s0+$0x3110] =	vst v0  }
0x4b: {  	[tilespmem:s0+$0x3120] =	vst v0  }
0x4c: {  	[tilespmem:s0+$0x3130] =	vst v0  }
0x4d: {  	[tilespmem:s0+$0x3140] =	vst v0  }
0x4e: {  	[tilespmem:s0+$0x3150] =	vst v0  }
0x4f: {  	[tilespmem:s0+$0x3160] =	vst v0  }
0x50: {  	[tilespmem:s0+$0x3170] =	vst v0  }
0x51: {  	[tilespmem:s0+$0x3500] =	vst v0  }
0x52: {  	[tilespmem:s0+$0x3510] =	vst v0  }
0x53: {  	[tilespmem:s0+$0x3520] =	vst v0  }
0x54: {  	[tilespmem:s0+$0x3530] =	vst v0  }
0x55: {  	[tilespmem:s0+$0x3540] =	vst v0  }
0x56: {  	[tilespmem:s0+$0x3550] =	vst v0  }
0x57: {  	[tilespmem:s0+$0x3560] =	vst v0  }
0x58: {  	[tilespmem:s0+$0x3570] =	vst v0  }
0x59: {  	[tilespmem:s0+$0x3900] =	vst v0  }
0x5a: {  	[tilespmem:s0+$0x3910] =	vst v0  }
0x5b: {  	[tilespmem:s0+$0x3920] =	vst v0  }
0x5c: {  	[tilespmem:s0+$0x3930] =	vst v0  }
0x5d: {  	[tilespmem:s0+$0x3940] =	vst v0  }
0x5e: {  	[tilespmem:s0+$0x3950] =	vst v0  }
0x5f: {  	[tilespmem:s0+$0x3960] =	vst v0  }
0x60: {  	[tilespmem:s0+$0x3970] =	vst v0  }
0x61: {  	[tilespmem:s0+$0x3D00] =	vst v0  }
0x62: {  	[tilespmem:s0+$0x3D10] =	vst v0  }
0x63: {  	[tilespmem:s0+$0x3D20] =	vst v0  }
0x64: {  	[tilespmem:s0+$0x3D30] =	vst v0  }
0x65: {  	[tilespmem:s0+$0x3D40] =	vst v0  }
0x66: {  	[tilespmem:s0+$0x3D50] =	vst v0  }
0x67: {  	[tilespmem:s0+$0x3D60] =	vst v0  }
0x68: {  	[tilespmem:s0+$0x3D70] =	vst v0  }
0x69: {  	[tilespmem:s0+$0x4100] =	vst v0  }
0x6a: {  	[tilespmem:s0+$0x4110] =	vst v0  }
0x6b: {  	s4 =	simm.s32 $0x0;
	s3 =	simm.s32 $0x2;
	s2 =	simm.s32 $0x0;
	[tilespmem:s0+$0x4120] =	vst v0  }
.LBB2_2:
0x6c: {  	p1 =	sne.s32 s3, $0x3F;
	s4 =	smul.u32 $0x6000, s4;
	[tilespmem:s0+$0x4130] =	vst v0  }
0x6d: {  	s2 =	sadd.s32 $0x80, s2;
	[tilespmem:s0+$0x4140] =	vst v0  }
0x6e: {  	s8 =	sand.u32 $0x380, s2;
	s4 =	sshra.s32 s4, $0x2;
	[tilespmem:s0+$0x4150] =	vst v0  }
0x6f: {  	[tilespmem:s0+$0x4160] =	vst v0;
	s0 =	sor.u32 s8, s4  }
0x70: {  	[tilespmem:s0+$0x4170] =	vst v0  }
0x71: {  	[tilespmem:s0+$0x2D00] =	vst v0  }
0x72: {  	[tilespmem:s0+$0x2D10] =	vst v0  }
0x73: {  	[tilespmem:s0+$0x2D20] =	vst v0  }
0x74: {  	[tilespmem:s0+$0x2D30] =	vst v0  }
0x75: {  	[tilespmem:s0+$0x2D40] =	vst v0  }
0x76: {  	[tilespmem:s0+$0x2D50] =	vst v0  }
0x77: {  	[tilespmem:s0+$0x2D60] =	vst v0  }
0x78: {  	[tilespmem:s0+$0x2D70] =	vst v0  }
0x79: {  	[tilespmem:s0+$0x3100] =	vst v0  }
0x7a: {  	[tilespmem:s0+$0x3110] =	vst v0  }
0x7b: {  	[tilespmem:s0+$0x3120] =	vst v0  }
0x7c: {  	[tilespmem:s0+$0x3130] =	vst v0  }
0x7d: {  	[tilespmem:s0+$0x3140] =	vst v0  }
0x7e: {  	[tilespmem:s0+$0x3150] =	vst v0  }
0x7f: {  	[tilespmem:s0+$0x3160] =	vst v0  }
0x80: {  	[tilespmem:s0+$0x3170] =	vst v0  }
0x81: {  	[tilespmem:s0+$0x3500] =	vst v0  }
0x82: {  	[tilespmem:s0+$0x3510] =	vst v0  }
0x83: {  	[tilespmem:s0+$0x3520] =	vst v0  }
0x84: {  	[tilespmem:s0+$0x3530] =	vst v0  }
0x85: {  	[tilespmem:s0+$0x3540] =	vst v0  }
0x86: {  	[tilespmem:s0+$0x3550] =	vst v0  }
0x87: {  	[tilespmem:s0+$0x3560] =	vst v0  }
0x88: {  	[tilespmem:s0+$0x3570] =	vst v0  }
0x89: {  	[tilespmem:s0+$0x3900] =	vst v0  }
0x8a: {  	[tilespmem:s0+$0x3910] =	vst v0  }
0x8b: {  	[tilespmem:s0+$0x3920] =	vst v0  }
0x8c: {  	[tilespmem:s0+$0x3930] =	vst v0  }
0x8d: {  	[tilespmem:s0+$0x3940] =	vst v0  }
0x8e: {  	[tilespmem:s0+$0x3950] =	vst v0  }
0x8f: {  	[tilespmem:s0+$0x3960] =	vst v0  }
0x90: {  	[tilespmem:s0+$0x3970] =	vst v0  }
0x91: {  	[tilespmem:s0+$0x3D00] =	vst v0  }
0x92: {  	[tilespmem:s0+$0x3D10] =	vst v0  }
0x93: {  	[tilespmem:s0+$0x3D20] =	vst v0  }
0x94: {  	[tilespmem:s0+$0x3D30] =	vst v0  }
0x95: {  	[tilespmem:s0+$0x3D40] =	vst v0  }
0x96: {  	[tilespmem:s0+$0x3D50] =	vst v0  }
.Ltmp2:
0x97: {  	[tilespmem:s0+$0x3D60] =	vst v0;
	(pc) =	sbr.rel @p1 .LBB2_2-.Ltmp2, $4  }
0x98: {  	[tilespmem:s0+$0x3D70] =	vst v0  }
0x99: {  	[tilespmem:s0+$0x4100] =	vst v0  }
0x9a: {  	[tilespmem:s0+$0x4110] =	vst v0  }
0x9b: {  	s4 =	sshrl.u32 s3, $0x3;
	s3 =	sadd.s32 $0x1, s3;
	[tilespmem:s0+$0x4120] =	vst v0  }
0x9c: {  	s3 =	smul.u32 $0x6000, s4;
	[tilespmem:s0+$0x4130] =	vst v0  }
0x9d: {  	[tilespmem:s0+$0x4140] =	vst v0;
	s2 =	sadd.s32 $0x80, s2  }
0x9e: {  	[tilespmem:s0+$0x4150] =	vst v0;
	s2 =	sand.u32 $0x380, s2;
	s3 =	sshra.s32 s3, $0x2  }
0x9f: {  	[tilespmem:s0+$0x4160] =	vst v0;
	s2 =	sor.u32 s2, s3  }
0xa0: {  	[tilespmem:s2+$0x4170] =	vst v0  }
0xa1: {  	[tilespmem:s2+$0x2D00] =	vst v0  }
0xa2: {  	[tilespmem:s2+$0x2D10] =	vst v0  }
0xa3: {  	[tilespmem:s2+$0x2D20] =	vst v0  }
0xa4: {  	[tilespmem:s2+$0x2D30] =	vst v0  }
0xa5: {  	[tilespmem:s2+$0x2D40] =	vst v0  }
0xa6: {  	[tilespmem:s2+$0x2D50] =	vst v0  }
0xa7: {  	[tilespmem:s2+$0x2D60] =	vst v0  }
0xa8: {  	[tilespmem:s2+$0x2D70] =	vst v0  }
0xa9: {  	[tilespmem:s2+$0x3100] =	vst v0  }
0xaa: {  	[tilespmem:s2+$0x3110] =	vst v0  }
0xab: {  	[tilespmem:s2+$0x3120] =	vst v0  }
0xac: {  	[tilespmem:s2+$0x3130] =	vst v0  }
0xad: {  	[tilespmem:s2+$0x3140] =	vst v0  }
0xae: {  	[tilespmem:s2+$0x3150] =	vst v0  }
0xaf: {  	[tilespmem:s2+$0x3160] =	vst v0  }
0xb0: {  	[tilespmem:s2+$0x3170] =	vst v0  }
0xb1: {  	[tilespmem:s2+$0x3500] =	vst v0  }
0xb2: {  	[tilespmem:s2+$0x3510] =	vst v0  }
0xb3: {  	[tilespmem:s2+$0x3520] =	vst v0  }
0xb4: {  	[tilespmem:s2+$0x3530] =	vst v0  }
0xb5: {  	[tilespmem:s2+$0x3540] =	vst v0  }
0xb6: {  	[tilespmem:s2+$0x3550] =	vst v0  }
0xb7: {  	[tilespmem:s2+$0x3560] =	vst v0  }
0xb8: {  	[tilespmem:s2+$0x3570] =	vst v0  }
0xb9: {  	[tilespmem:s2+$0x3900] =	vst v0  }
0xba: {  	[tilespmem:s2+$0x3910] =	vst v0  }
0xbb: {  	[tilespmem:s2+$0x3920] =	vst v0  }
0xbc: {  	[tilespmem:s2+$0x3930] =	vst v0  }
0xbd: {  	[tilespmem:s2+$0x3940] =	vst v0  }
0xbe: {  	[tilespmem:s2+$0x3950] =	vst v0  }
0xbf: {  	[tilespmem:s2+$0x3960] =	vst v0  }
0xc0: {  	[tilespmem:s2+$0x3970] =	vst v0  }
0xc1: {  	[tilespmem:s2+$0x3D00] =	vst v0  }
0xc2: {  	[tilespmem:s2+$0x3D10] =	vst v0  }
0xc3: {  	[tilespmem:s2+$0x3D20] =	vst v0  }
0xc4: {  	[tilespmem:s2+$0x3D30] =	vst v0  }
0xc5: {  	[tilespmem:s2+$0x3D40] =	vst v0  }
0xc6: {  	[tilespmem:s2+$0x3D50] =	vst v0  }
0xc7: {  	[tilespmem:s2+$0x3D60] =	vst v0  }
0xc8: {  	[tilespmem:s2+$0x3D70] =	vst v0  }
0xc9: {  	[tilespmem:s2+$0x4100] =	vst v0  }
0xca: {  	[tilespmem:s2+$0x4110] =	vst v0  }
0xcb: {  	[tilespmem:s2+$0x4120] =	vst v0  }
0xcc: {  	[tilespmem:s2+$0x4130] =	vst v0  }
0xcd: {  	[tilespmem:s2+$0x4140] =	vst v0  }
0xce: {  	[tilespmem:s2+$0x4150] =	vst v0  }
0xcf: {  	[tilespmem:s2+$0x4160] =	vst v0  }
0xd0: {  	_ =	swait.ge [sflag:s21], $0x300  }
0xd1: {  	[sflag:s21] =	ssyncset.done $0x0  }
0xd2: {  	s2 =	simm.s32 $0x20A0;
	[sflag:s21] =	ssyncadd.s32 $0xFFFFFD00  }
0xd3: {  	v2 =	vld [tilespmem:s2+$0x10]  }
0xd4: {  	v3 =	vld [tilespmem:s2+$0xFFFFFFE0]  }
0xd5: {  	v4 =	vld [tilespmem:s2+$0xFFFFFFF0]  }
0xd6: {  	v5 =	vld [tilespmem:s2+$0x0];
	_ =	sdelay $0x4  }
0xd7: {  	v8 =	vld.idx.msk [tilespmem:v2+s6+$0x0], $0xffff  }
0xd8: {  	s17 =	simm.s32 $0x0;
	s18 =	simm.s32 $0x20;
	v12 =	vld.idx.msk [tilespmem:v3+s6+$0x0], $0xffff  }
0xd9: {  	s8 =	simm.s32 $0x10;
	v21 =	vmov s17;
	v23 =	vmov s18;
	s3 =	simm.s32 $0x30;
	v15 =	vld.idx.msk [tilespmem:v4+s6+$0x0], $0xffff  }
0xda: {  	v58 =	vor.u32 s8, v1;
	v59 =	vor.u32 s17, v1;
	v10 =	vmov s3;
	v2 =	vld.idx.msk [tilespmem:v5+s6+$0x0], $0xffff  }
0xdb: {  	v21 =	vshll.u32 v21, $0x3;
	v23 =	vshll.u32 v23, $0x3;
	v10 =	vshll.u32 v10, $0x3  }
0xdc: {  	v21 =	vand.u32 $0x1C00, v21;
	v16 =	vor.u32 s3, v1;
	v10 =	vand.u32 $0x1C00, v10  }
0xdd: {  	v3 =	vand.u32 $0xFFFFFF80, v8;
	v4 =	vshll.u32 v8, $0x7;
	v5 =	vand.u32 $0xFFFFFF80, v12  }
0xde: {  	v6 =	vand.u32 $0x7F, v8;
	v7 =	vshll.u32 v12, $0x7;
	v11 =	vshrl.u32 v8, $0x3  }
0xdf: {  	v9 =	vand.u32 $0xFFFFFF80, v15;
	v13 =	vand.u32 $0xFFFFFF80, v2;
	v11 =	vmul.u32 $0x1800, v11  }
0xe0: {  	v14 =	vshll.u32 v2, $0x7;
	v17 =	vand.u32 $0x7F, v2;
	v18 =	vshrl.u32 v12, $0x3  }
0xe1: {  	s4 =	simm.s32 $0x20E0;
	v3 =	vadd.s32 v3, v4;
	v4 =	vand.u32 $0x380, v4;
	v10 =	vadd.s32 v10, v11  }
0xe2: {  	v20 =	vshrl.u32 v2, $0x3;
	v11 =	vand.u32 $0x7F, v16;
	v16 =	vld [tilespmem:s4+$0x10];
	v4 =	vor.u32 v4, v10  }
0xe3: {  	v5 =	vadd.s32 v5, v7;
	v13 =	vadd.s32 v13, v14;
	v11 =	vor.u32 v11, v4;
	v4 =	vld [tilespmem:s4+$0xFFFFFFE0]  }
0xe4: {  	v19 =	vld [tilespmem:s4+$0xFFFFFFF0];
	v18 =	vmul.u32 $0x1800, v18;
	v20 =	vmul.u32 $0x1800, v20;
	v3 =	vor.u32 v6, v3  }
0xe5: {  	v6 =	vshll.u32 v15, $0x7;
	v17 =	vor.u32 v17, v13;
	v10 =	vand.u32 $0x7F, v12  }
0xe6: {  	v22 =	vld [tilespmem:s4+$0x0];
	v9 =	vadd.s32 v9, v6;
	v10 =	vor.u32 v10, v5;
	v5 =	vand.u32 $0x7F, v15  }
0xe7: {  	v13 =	vshrl.u32 v15, $0x3;
	v9 =	vor.u32 v5, v9;
	v5 =	vmov s8  }
0xe8: {  	v7 =	vand.u32 $0x380, v7;
	v13 =	vmul.u32 $0x1800, v13;
	v5 =	vshll.u32 v5, $0x3  }
0xe9: {  	v14 =	vand.u32 $0x380, v14;
	v18 =	vadd.s32 v21, v18;
	v24 =	vld.idx.msk [tilespmem:v3+s20+$0x0], $0xffff;
	v5 =	vand.u32 $0x1C00, v5  }
0xea: {  	v6 =	vand.u32 $0x380, v6;
	v3 =	vand.u32 $0x1C00, v23;
	v13 =	vadd.s32 v5, v13;
	v5 =	vld.idx.msk [tilespmem:v16+s6+$0x0], $0xffff  }
0xeb: {  	v7 =	vor.u32 v7, v18;
	v13 =	vor.u32 v6, v13;
	v16 =	vadd.s32 v3, v20;
	v3 =	vld.idx.msk [tilespmem:v4+s6+$0x0], $0xffff  }
0xec: {  	v14 =	vor.u32 v14, v16;
	v16 =	vand.u32 $0x4F, v59;
	v4 =	vld.idx.msk [tilespmem:v19+s6+$0x0], $0xffff;
	v19 =	vand.u32 $0x5F, v58  }
0xed: {  	v18 =	vor.u32 s18, v1;
	v16 =	vor.u32 v16, v7;
	v13 =	vor.u32 v19, v13;
	v19 =	vld.idx.msk [tilespmem:v10+s20+$0x0], $0xffff  }
0xee: {  	v18 =	vand.u32 $0x6F, v18;
	v6 =	vld.idx.msk [tilespmem:v22+s6+$0x0], $0xffff  }
0xef: {  	s31 =	simm.s32 $0x70;
	v9 =	vld.idx.msk [tilespmem:v9+s20+$0x0], $0xffff;
	v10 =	vor.u32 v18, v14;
	v7 =	vand.u32 $0xFFFFFF80, v5;
	v18 =	vshll.u32 v5, $0x7  }
0xf0: {  	[tilespmem:v11+s22+$0x0] =	vst.idx.msk $0xffff, v24;
	v11 =	vmov s31;
	v60 =	vand.u32 $0x7F, v5;
	v61 =	vadd.s32 v7, v18  }
0xf1: {  	v11 =	vshll.u32 v11, $0x3;
	v63 =	vshrl.u32 v5, $0x3;
	v20 =	vor.u32 v60, v61  }
0xf2: {  	s0 =	simm.s32 $0x2720;
	v21 =	vmul.u32 $0x1800, v63;
	v18 =	vand.u32 $0x380, v18;
	[tilespmem:v16+s22+$0x0] =	vst.idx.msk $0xffff, v19;
	v16 =	vand.u32 $0x1C00, v11;
	v11 =	vld.idx.msk [tilespmem:v17+s20+$0x0], $0xffff  }
0xf3: {  	[tilespmem:s0+$0x10] =	vst v8;
	v14 =	vand.u32 $0xFFFFFF80, v3;
	v7 =	vshll.u32 v3, $0x7;
	v62 =	vand.u32 $0xFFFFFF80, v4  }
0xf4: {  	v8 =	vshll.u32 v4, $0x7;
	[tilespmem:v13+s22+$0x0] =	vst.idx.msk $0xffff, v9;
	v13 =	vand.u32 $0xFFFFFF80, v6;
	v14 =	vadd.s32 v14, v7  }
0xf5: {  	s17 =	simm.s32 $0x2120;
	s3 =	simm.s32 $0x60;
	v9 =	vshll.u32 v6, $0x7;
	v17 =	vor.u32 s31, v1;
	[tilespmem:s0+$0xFFFFFFE0] =	vst v12;
	v19 =	vadd.s32 v16, v21  }
0xf6: {  	s2 =	simm.s32 $0x40;
	s18 =	simm.s32 $0x50;
	s4 =	simm.s32 $0x4;
	[tilespmem:s0+$0xFFFFFFF0] =	vst v15;
	v15 =	vadd.s32 v62, v8;
	v16 =	vand.u32 $0x7F, v17;
	v17 =	vor.u32 v18, v19;
	v12 =	vld.idx.msk [tilespmem:v20+s20+$0x0], $0xffff  }
.LBB2_4:
0xf7: {  	v18 =	vld [tilespmem:s17+$0x10];
	v19 =	vand.u32 $0x7F, v3;
	v13 =	vadd.s32 v13, v9;
	v16 =	vor.u32 v16, v17;
	[tilespmem:v10+s22+$0x0] =	vst.idx.msk $0xffff, v11  }
0xf8: {  	s4 =	sadd.s32 $0x4, s4;
	v17 =	vand.u32 $0x7F, v6;
	v10 =	vld [tilespmem:s17+$0xFFFFFFE0];
	v11 =	vor.u32 v19, v14;
	v14 =	vand.u32 $0x7F, v4;
	[tilespmem:s0+$0x0] =	vst v2;
	v2 =	vmovc v6  }
0xf9: {  	p1 =	slt.u32 s4, $0x2C;
	v19 =	vshrl.u32 v3, $0x3;
	v13 =	vor.u32 v17, v13;
	v6 =	vld [tilespmem:s17+$0xFFFFFFF0];
	v14 =	vor.u32 v14, v15  }
0xfa: {  	v20 =	vshrl.u32 v4, $0x3;
	v17 =	vmov s18;
	v21 =	vshrl.u32 v2, $0x3;
	v15 =	vld [tilespmem:s17+$0x0]  }
0xfb: {  	v22 =	vmov s2;
	v23 =	vmov s3;
	v19 =	vmul.u32 $0x1800, v19  }
0xfc: {  	v20 =	vmul.u32 $0x1800, v20;
	s0 =	sadd.s32 $0x40, s0;
	v17 =	vshll.u32 v17, $0x3;
	v21 =	vmul.u32 $0x1800, v21;
	[tilespmem:v16+s22+$0x0] =	vst.idx.msk $0xffff, v12  }
0xfd: {  	v16 =	vand.u32 $0x1C00, v17;
	v17 =	vshll.u32 v23, $0x3;
	v12 =	vld.idx.msk [tilespmem:v11+s20+$0x0], $0xffff;
	v11 =	vshll.u32 v22, $0x3;
	[tilespmem:s0+$0x10] =	vst v5  }
0xfe: {  	v16 =	vadd.s32 v16, v20;
	v17 =	vand.u32 $0x1C00, v17;
	v11 =	vand.u32 $0x1C00, v11;
	v14 =	vld.idx.msk [tilespmem:v14+s20+$0x0], $0xffff  }
0xff: {  	v7 =	vand.u32 $0x380, v7;
	v17 =	vadd.s32 v17, v21;
	v5 =	vld.idx.msk [tilespmem:v18+s6+$0x0], $0xffff;
	v11 =	vadd.s32 v11, v19  }
0x100: {  	v8 =	vand.u32 $0x380, v8;
	v9 =	vand.u32 $0x380, v9;
	v18 =	vld.idx.msk [tilespmem:v10+s6+$0x0], $0xffff;
	v10 =	vor.u32 s18, v1  }
0x101: {  	v20 =	vor.u32 s2, v1;
	v21 =	vor.u32 s3, v1;
	v7 =	vor.u32 v7, v11;
	v19 =	vld.idx.msk [tilespmem:v6+s6+$0x0], $0xffff  }
0x102: {  	v8 =	vor.u32 v8, v16;
	v9 =	vor.u32 v9, v17;
	v10 =	vand.u32 $0x5F, v10;
	v6 =	vld.idx.msk [tilespmem:v15+s6+$0x0], $0xffff  }
0x103: {  	v15 =	vand.u32 $0x4F, v20;
	v16 =	vor.u32 v10, v8;
	v8 =	vand.u32 $0x6F, v21;
	v11 =	vld.idx.msk [tilespmem:v13+s20+$0x0], $0xffff  }
0x104: {  	v15 =	vor.u32 v15, v7;
	v10 =	vor.u32 v8, v9  }
0x105: {  	v7 =	vand.u32 $0xFFFFFF80, v5;
	v17 =	vshll.u32 v5, $0x7  }
0x106: {  	s2 =	sadd.s32 $0x40, s2;
	v8 =	vand.u32 $0x7F, v5;
	v9 =	vand.u32 $0xFFFFFF80, v18;
	v13 =	vadd.s32 v7, v17  }
0x107: {  	s3 =	sadd.s32 $0x20, s2;
	s8 =	sadd.s32 $0x30, s2;
	s18 =	sadd.s32 $0x10, s2;
	v7 =	vshll.u32 v18, $0x7;
	v20 =	vand.u32 $0xFFFFFF80, v19;
	v21 =	vor.u32 v8, v13  }
.Ltmp3:
0x108: {  	v22 =	vmov s8;
	v23 =	vshrl.u32 v5, $0x3;
	v8 =	vshll.u32 v19, $0x7;
	[tilespmem:v16+s22+$0x0] =	vst.idx.msk $0xffff, v14;
	(pc) =	sbr.rel @p1 .LBB2_4-.Ltmp3, $4  }
0x109: {  	v22 =	vshll.u32 v22, $0x3;
	v13 =	vand.u32 $0xFFFFFF80, v6;
	v16 =	vmul.u32 $0x1800, v23;
	[tilespmem:v15+s22+$0x0] =	vst.idx.msk $0xffff, v12  }
0x10a: {  	v14 =	vadd.s32 v9, v7;
	v9 =	vshll.u32 v6, $0x7;
	v12 =	vand.u32 $0x1C00, v22;
	[tilespmem:s0+$0xFFFFFFE0] =	vst v3;
	v3 =	vmovc v18  }
0x10b: {  	v17 =	vand.u32 $0x380, v17;
	v18 =	vor.u32 s8, v1;
	v22 =	vadd.s32 v12, v16;
	[tilespmem:s0+$0xFFFFFFF0] =	vst v4;
	v4 =	vmovc v19  }
0x10c: {  	s17 =	sadd.s32 $0x40, s17;
	v15 =	vadd.s32 v20, v8;
	v16 =	vand.u32 $0x7F, v18;
	v17 =	vor.u32 v17, v22;
	v12 =	vld.idx.msk [tilespmem:v21+s20+$0x0], $0xffff  }
0x10d: {  	v18 =	vand.u32 $0x7F, v3;
	v13 =	vadd.s32 v13, v9;
	v16 =	vor.u32 v16, v17  }
0x10e: {  	v50 =	vand.u32 $0x7F, v4;
	v51 =	vand.u32 $0x7F, v6;
	v19 =	vshrl.u32 v3, $0x3  }
0x10f: {  	v52 =	vmov s18;
	v20 =	vshrl.u32 v4, $0x3;
	v21 =	vmov s2  }
0x110: {  	v7 =	vand.u32 $0x380, v7;
	v54 =	vor.u32 s18, v1;
	v8 =	vand.u32 $0x380, v8  }
0x111: {  	v55 =	vshrl.u32 v6, $0x3;
	v56 =	vmov s3;
	v57 =	vor.u32 s2, v1  }
0x112: {  	v14 =	vor.u32 v18, v14;
	v15 =	vor.u32 v50, v15;
	v19 =	vmul.u32 $0x1800, v19  }
0x113: {  	v20 =	vmul.u32 $0x1800, v20;
	v17 =	vshll.u32 v52, $0x3;
	v21 =	vshll.u32 v21, $0x3  }
0x114: {  	v13 =	vor.u32 v51, v13;
	v17 =	vand.u32 $0x1C00, v17;
	v53 =	vand.u32 $0x1C00, v21  }
0x115: {  	v17 =	vadd.s32 v17, v20;
	v18 =	vadd.s32 v53, v19;
	v19 =	vand.u32 $0x5F, v54  }
0x116: {  	v7 =	vor.u32 v7, v18;
	v8 =	vor.u32 v8, v17;
	v18 =	vmul.u32 $0x1800, v55  }
0x117: {  	v17 =	vshll.u32 v56, $0x3;
	v8 =	vor.u32 v19, v8;
	v19 =	vand.u32 $0x4F, v57;
	v15 =	vld.idx.msk [tilespmem:v15+s20+$0x0], $0xffff  }
0x118: {  	[tilespmem:v10+s22+$0x0] =	vst.idx.msk $0xffff, v11;
	v59 =	vand.u32 $0x1C00, v17;
	v58 =	vld.idx.msk [tilespmem:v14+s20+$0x0], $0xffff;
	v7 =	vor.u32 v19, v7  }
0x119: {  	v60 =	vand.u32 $0x380, v9;
	v61 =	vor.u32 s3, v1;
	[tilespmem:s0+$0x0] =	vst v2;
	v2 =	vadd.s32 v59, v18  }
0x11a: {  	s8 =	sadd.s32 $0x40, s0;
	v62 =	vand.u32 $0x6F, v61;
	[tilespmem:v16+s22+$0x0] =	vst.idx.msk $0xffff, v12;
	v2 =	vor.u32 v60, v2  }
0x11b: {  	[tilespmem:s8+$0x10] =	vst v5;
	v63 =	vld.idx.msk [tilespmem:v13+s20+$0x0], $0xffff;
	v2 =	vor.u32 v62, v2  }
0x11c: {  	[tilespmem:v8+s22+$0x0] =	vst.idx.msk $0xffff, v15  }
0x11d: {  	[tilespmem:v7+s22+$0x0] =	vst.idx.msk $0xffff, v58  }
0x11e: {  	[tilespmem:s8+$0xFFFFFFE0] =	vst v3  }
0x11f: {  	s18 =	simm.s32 $0x0;
	[tilespmem:s8+$0xFFFFFFF0] =	vst v4  }
0x120: {  	s2 =	smul.u32 $0x6000, s18;
	[tilespmem:v2+s22+$0x0] =	vst.idx.msk $0xffff, v63  }
0x121: {  	s0 =	simm.s32 $0x0;
	[tilespmem:s8+$0x0] =	vst v6  }
0x122: {  	s31 =	sand.u32 $0x380, s0;
	s2 =	sshra.s32 s2, $0x2;
	s17 =	rddreg [dreg:$0x7]  }
0x123: {  	[tilespmem:s9], [sflag:$0x3] =	stream.linear.gather [hbm4b:s17+s0], $0x300, $0x38;
	[tilespmem:$0x1CD00] =	vst v63  }
0x124: {  	s2 =	sor.u32 s31, s2  }
0x125: {  	[hbm4b:s11+s23] =	stream.strided.scatter [tilespmem:s22], [sflag:$0x1], $0xC000, s24, s23, $0x38;
	[tilespmem:$0x1CD00] =	vst v63  }
0x126: {  	[tilespmem:s2+$0x10100] =	vst v0  }
0x127: {  	[tilespmem:s2+$0xF940] =	vst v0  }
0x128: {  	[tilespmem:s2+$0xF960] =	vst v0  }
0x129: {  	[tilespmem:s2+$0xED00] =	vst v0  }
0x12a: {  	[tilespmem:s2+$0xED20] =	vst v0  }
0x12b: {  	[tilespmem:s2+$0xED30] =	vst v0  }
0x12c: {  	[tilespmem:s2+$0xED40] =	vst v0  }
0x12d: {  	[tilespmem:s2+$0xED50] =	vst v0  }
0x12e: {  	[tilespmem:s2+$0xED60] =	vst v0  }
0x12f: {  	[tilespmem:s2+$0xED70] =	vst v0  }
0x130: {  	[tilespmem:s2+$0xF100] =	vst v0  }
0x131: {  	[tilespmem:s2+$0xF110] =	vst v0  }
0x132: {  	[tilespmem:s2+$0xF120] =	vst v0  }
0x133: {  	[tilespmem:s2+$0xF130] =	vst v0  }
0x134: {  	[tilespmem:s2+$0xF140] =	vst v0  }
0x135: {  	[tilespmem:s2+$0xF150] =	vst v0  }
0x136: {  	[tilespmem:s2+$0xF160] =	vst v0  }
0x137: {  	[tilespmem:s2+$0xF170] =	vst v0  }
0x138: {  	[tilespmem:s2+$0xF500] =	vst v0  }
0x139: {  	[tilespmem:s2+$0xF510] =	vst v0  }
0x13a: {  	[tilespmem:s2+$0xF520] =	vst v0  }
0x13b: {  	[tilespmem:s2+$0xF530] =	vst v0  }
0x13c: {  	[tilespmem:s2+$0xF540] =	vst v0  }
0x13d: {  	[tilespmem:s2+$0xF550] =	vst v0  }
0x13e: {  	[tilespmem:s2+$0xF560] =	vst v0  }
0x13f: {  	[tilespmem:s2+$0xF570] =	vst v0  }
0x140: {  	[tilespmem:s2+$0xF900] =	vst v0  }
0x141: {  	[tilespmem:s2+$0xF910] =	vst v0  }
0x142: {  	[tilespmem:s2+$0xF920] =	vst v0  }
0x143: {  	[tilespmem:s2+$0xF970] =	vst v0  }
0x144: {  	[tilespmem:s2+$0xFD00] =	vst v0  }
0x145: {  	[tilespmem:s2+$0xFD10] =	vst v0  }
0x146: {  	[tilespmem:s2+$0xFD20] =	vst v0  }
0x147: {  	[tilespmem:s2+$0xFD30] =	vst v0  }
0x148: {  	[tilespmem:s2+$0xFD40] =	vst v0  }
0x149: {  	s3 =	simm.s32 $0x1;
	[tilespmem:s2+$0xED10] =	vst v0  }
.LBB2_6:
0x14a: {  	p1 =	sne.s32 s3, $0x3F;
	[tilespmem:s2+$0xF930] =	vst v0  }
0x14b: {  	[tilespmem:s2+$0xF950] =	vst v0  }
0x14c: {  	[tilespmem:s2+$0xFD50] =	vst v0  }
0x14d: {  	[tilespmem:s2+$0xFD60] =	vst v0  }
0x14e: {  	s4 =	sadd.s32 $0x10100, s2;
	[tilespmem:s2+$0xFD70] =	vst v0  }
0x14f: {  	[tilespmem:s4+$0x70] =	vst v0  }
0x150: {  	[tilespmem:s4+$0x10] =	vst v0  }
0x151: {  	s2 =	sshrl.u32 s3, $0x3;
	[tilespmem:s4+$0x20] =	vst v0  }
0x152: {  	s2 =	smul.u32 $0x6000, s2;
	[tilespmem:s4+$0x30] =	vst v0  }
0x153: {  	s0 =	sadd.s32 $0x80, s0;
	[tilespmem:s4+$0x40] =	vst v0  }
0x154: {  	s8 =	sand.u32 $0x380, s0;
	s2 =	sshra.s32 s2, $0x2;
	[tilespmem:s4+$0x50] =	vst v0  }
0x155: {  	s2 =	sor.u32 s8, s2;
	[tilespmem:s4+$0x60] =	vst v0  }
0x156: {  	[tilespmem:s2+$0x10100] =	vst v0  }
0x157: {  	[tilespmem:s2+$0xF940] =	vst v0  }
0x158: {  	[tilespmem:s2+$0xF960] =	vst v0  }
0x159: {  	[tilespmem:s2+$0xED00] =	vst v0  }
0x15a: {  	[tilespmem:s2+$0xED20] =	vst v0  }
0x15b: {  	[tilespmem:s2+$0xED30] =	vst v0  }
0x15c: {  	[tilespmem:s2+$0xED40] =	vst v0  }
0x15d: {  	[tilespmem:s2+$0xED50] =	vst v0  }
0x15e: {  	[tilespmem:s2+$0xED60] =	vst v0  }
0x15f: {  	[tilespmem:s2+$0xED70] =	vst v0  }
0x160: {  	[tilespmem:s2+$0xF100] =	vst v0  }
0x161: {  	[tilespmem:s2+$0xF110] =	vst v0  }
0x162: {  	[tilespmem:s2+$0xF120] =	vst v0  }
0x163: {  	[tilespmem:s2+$0xF130] =	vst v0  }
0x164: {  	[tilespmem:s2+$0xF140] =	vst v0  }
0x165: {  	[tilespmem:s2+$0xF150] =	vst v0  }
0x166: {  	[tilespmem:s2+$0xF160] =	vst v0  }
0x167: {  	[tilespmem:s2+$0xF170] =	vst v0  }
0x168: {  	[tilespmem:s2+$0xF500] =	vst v0  }
0x169: {  	[tilespmem:s2+$0xF510] =	vst v0  }
0x16a: {  	[tilespmem:s2+$0xF520] =	vst v0  }
0x16b: {  	[tilespmem:s2+$0xF530] =	vst v0  }
0x16c: {  	[tilespmem:s2+$0xF540] =	vst v0  }
0x16d: {  	[tilespmem:s2+$0xF550] =	vst v0  }
0x16e: {  	[tilespmem:s2+$0xF560] =	vst v0  }
0x16f: {  	[tilespmem:s2+$0xF570] =	vst v0  }
0x170: {  	[tilespmem:s2+$0xF900] =	vst v0  }
0x171: {  	[tilespmem:s2+$0xF910] =	vst v0  }
0x172: {  	[tilespmem:s2+$0xF920] =	vst v0  }
0x173: {  	[tilespmem:s2+$0xF970] =	vst v0  }
0x174: {  	[tilespmem:s2+$0xFD00] =	vst v0  }
.Ltmp4:
0x175: {  	[tilespmem:s2+$0xFD10] =	vst v0;
	(pc) =	sbr.rel @p1 .LBB2_6-.Ltmp4, $4  }
0x176: {  	[tilespmem:s2+$0xFD20] =	vst v0  }
0x177: {  	[tilespmem:s2+$0xFD30] =	vst v0  }
0x178: {  	[tilespmem:s2+$0xFD40] =	vst v0  }
0x179: {  	s3 =	sadd.s32 $0x1, s3;
	[tilespmem:s2+$0xED10] =	vst v0  }
0x17a: {  	[tilespmem:s2+$0xF930] =	vst v0  }
0x17b: {  	[tilespmem:s2+$0xF950] =	vst v0  }
0x17c: {  	[tilespmem:s2+$0xFD50] =	vst v0  }
0x17d: {  	[tilespmem:s2+$0xFD60] =	vst v0  }
0x17e: {  	[tilespmem:s2+$0xFD70] =	vst v0;
	s0 =	sadd.s32 $0x10100, s2  }
0x17f: {  	[tilespmem:s0+$0x70] =	vst v0  }
0x180: {  	[tilespmem:s0+$0x10] =	vst v0  }
0x181: {  	[tilespmem:s0+$0x20] =	vst v0  }
0x182: {  	[tilespmem:s0+$0x30] =	vst v0  }
0x183: {  	[tilespmem:s0+$0x40] =	vst v0  }
0x184: {  	[tilespmem:s0+$0x50] =	vst v0  }
0x185: {  	s2 =	simm.s32 $0x0;
	[tilespmem:s0+$0x60] =	vst v0;
	s0 =	simm.s32 $0x200  }
.LBB2_8:
0x186: {  	p1 =	sne.s32 s0, $0x7E00;
	[tilespmem:s2+$0x1AD00] =	vst v0;
	s3 =	smov.u32 s0;
	s0 =	sadd.s32 $0x200, s0  }
.Ltmp5:
0x187: {  	[tilespmem:s2+$0x1AD10] =	vst v0;
	(pc) =	sbr.rel @p1 .LBB2_8-.Ltmp5, $2  }
0x188: {  	_ =	sdelay $0x2  }
0x189: {  	s2 =	sshra.s32 s3, $0x2  }
0x18a: {  	[tilespmem:s2+$0x1AD00] =	vst v0  }
0x18b: {  	[tilespmem:s2+$0x1AD10] =	vst v0  }
0x18c: {  	_ =	swait.ge [sflag:s25], $0x300  }
0x18d: {  	[sflag:s25] =	ssyncset.done $0x0  }
0x18e: {  	s0 =	simm.s32 $0x23A0;
	[sflag:s25] =	ssyncadd.s32 $0xFFFFFD00  }
0x18f: {  	v2 =	vld [tilespmem:s0+$0x10]  }
0x190: {  	v3 =	vld [tilespmem:s0+$0xFFFFFFE0]  }
0x191: {  	v4 =	vld [tilespmem:s0+$0xFFFFFFF0]  }
0x192: {  	v5 =	vld [tilespmem:s0+$0x0];
	_ =	sdelay $0x4  }
0x193: {  	v8 =	vld.idx.msk [tilespmem:v2+s6+$0x0], $0xffff  }
0x194: {  	s9 =	simm.s32 $0x30;
	v12 =	vld.idx.msk [tilespmem:v3+s6+$0x0], $0xffff  }
0x195: {  	s18 =	simm.s32 $0x10;
	s3 =	simm.s32 $0x0;
	s4 =	simm.s32 $0x20;
	v10 =	vmov s9;
	v16 =	vor.u32 s9, v1;
	v15 =	vld.idx.msk [tilespmem:v4+s6+$0x0], $0xffff  }
0x196: {  	v21 =	vmov s3;
	v23 =	vmov s4;
	v58 =	vor.u32 s18, v1;
	v2 =	vld.idx.msk [tilespmem:v5+s6+$0x0], $0xffff  }
0x197: {  	v59 =	vor.u32 s3, v1;
	v10 =	vshll.u32 v10, $0x3;
	v21 =	vshll.u32 v21, $0x3  }
0x198: {  	v23 =	vshll.u32 v23, $0x3;
	v10 =	vand.u32 $0x1C00, v10;
	v21 =	vand.u32 $0x1C00, v21  }
0x199: {  	v3 =	vand.u32 $0xFFFFFF80, v8;
	v4 =	vshll.u32 v8, $0x7;
	v5 =	vand.u32 $0xFFFFFF80, v12  }
0x19a: {  	v6 =	vand.u32 $0x7F, v8;
	v7 =	vshll.u32 v12, $0x7;
	v11 =	vshrl.u32 v8, $0x3  }
0x19b: {  	v9 =	vand.u32 $0xFFFFFF80, v15;
	v13 =	vand.u32 $0xFFFFFF80, v2;
	v11 =	vmul.u32 $0x1800, v11  }
0x19c: {  	v14 =	vshll.u32 v2, $0x7;
	v17 =	vand.u32 $0x7F, v2;
	v18 =	vshrl.u32 v12, $0x3  }
0x19d: {  	s17 =	simm.s32 $0x23E0;
	v3 =	vadd.s32 v3, v4;
	v4 =	vand.u32 $0x380, v4;
	v10 =	vadd.s32 v10, v11  }
0x19e: {  	v20 =	vshrl.u32 v2, $0x3;
	v11 =	vand.u32 $0x7F, v16;
	v16 =	vld [tilespmem:s17+$0x10];
	v4 =	vor.u32 v4, v10  }
0x19f: {  	v5 =	vadd.s32 v5, v7;
	v13 =	vadd.s32 v13, v14;
	v11 =	vor.u32 v11, v4;
	v4 =	vld [tilespmem:s17+$0xFFFFFFE0]  }
0x1a0: {  	v19 =	vld [tilespmem:s17+$0xFFFFFFF0];
	v18 =	vmul.u32 $0x1800, v18;
	v20 =	vmul.u32 $0x1800, v20;
	v3 =	vor.u32 v6, v3  }
0x1a1: {  	v6 =	vshll.u32 v15, $0x7;
	v17 =	vor.u32 v17, v13;
	v10 =	vand.u32 $0x7F, v12  }
0x1a2: {  	v22 =	vld [tilespmem:s17+$0x0];
	v9 =	vadd.s32 v9, v6;
	v10 =	vor.u32 v10, v5;
	v5 =	vand.u32 $0x7F, v15  }
0x1a3: {  	v13 =	vshrl.u32 v15, $0x3;
	v9 =	vor.u32 v5, v9;
	v5 =	vmov s18  }
0x1a4: {  	v7 =	vand.u32 $0x380, v7;
	v13 =	vmul.u32 $0x1800, v13;
	v5 =	vshll.u32 v5, $0x3  }
0x1a5: {  	v14 =	vand.u32 $0x380, v14;
	v18 =	vadd.s32 v21, v18;
	v24 =	vld.idx.msk [tilespmem:v3+s20+$0x0], $0xffff;
	v5 =	vand.u32 $0x1C00, v5  }
0x1a6: {  	v6 =	vand.u32 $0x380, v6;
	v3 =	vand.u32 $0x1C00, v23;
	v13 =	vadd.s32 v5, v13;
	v5 =	vld.idx.msk [tilespmem:v16+s6+$0x0], $0xffff  }
0x1a7: {  	v7 =	vor.u32 v7, v18;
	v13 =	vor.u32 v6, v13;
	v16 =	vadd.s32 v3, v20;
	v3 =	vld.idx.msk [tilespmem:v4+s6+$0x0], $0xffff  }
0x1a8: {  	v14 =	vor.u32 v14, v16;
	v16 =	vand.u32 $0x4F, v59;
	v4 =	vld.idx.msk [tilespmem:v19+s6+$0x0], $0xffff;
	v19 =	vand.u32 $0x5F, v58  }
0x1a9: {  	v18 =	vor.u32 s4, v1;
	v16 =	vor.u32 v16, v7;
	v13 =	vor.u32 v19, v13;
	v19 =	vld.idx.msk [tilespmem:v10+s20+$0x0], $0xffff  }
0x1aa: {  	v18 =	vand.u32 $0x6F, v18;
	v6 =	vld.idx.msk [tilespmem:v22+s6+$0x0], $0xffff  }
0x1ab: {  	s31 =	simm.s32 $0x70;
	v9 =	vld.idx.msk [tilespmem:v9+s20+$0x0], $0xffff;
	v10 =	vor.u32 v18, v14;
	v7 =	vand.u32 $0xFFFFFF80, v5;
	v18 =	vshll.u32 v5, $0x7  }
0x1ac: {  	[tilespmem:v11+s26+$0x0] =	vst.idx.msk $0xffff, v24;
	v11 =	vmov s31;
	v60 =	vand.u32 $0x7F, v5;
	v61 =	vadd.s32 v7, v18  }
0x1ad: {  	v11 =	vshll.u32 v11, $0x3;
	v63 =	vshrl.u32 v5, $0x3;
	v20 =	vor.u32 v60, v61  }
0x1ae: {  	s0 =	simm.s32 $0x2A20;
	v21 =	vmul.u32 $0x1800, v63;
	v18 =	vand.u32 $0x380, v18;
	[tilespmem:v16+s26+$0x0] =	vst.idx.msk $0xffff, v19;
	v16 =	vand.u32 $0x1C00, v11;
	v11 =	vld.idx.msk [tilespmem:v17+s20+$0x0], $0xffff  }
0x1af: {  	[tilespmem:s0+$0x10] =	vst v8;
	v14 =	vand.u32 $0xFFFFFF80, v3;
	v7 =	vshll.u32 v3, $0x7;
	v62 =	vand.u32 $0xFFFFFF80, v4  }
0x1b0: {  	v8 =	vshll.u32 v4, $0x7;
	[tilespmem:v13+s26+$0x0] =	vst.idx.msk $0xffff, v9;
	v13 =	vand.u32 $0xFFFFFF80, v6;
	v14 =	vadd.s32 v14, v7  }
0x1b1: {  	s2 =	simm.s32 $0x40;
	s3 =	simm.s32 $0x60;
	v9 =	vshll.u32 v6, $0x7;
	v17 =	vor.u32 s31, v1;
	[tilespmem:s0+$0xFFFFFFE0] =	vst v12;
	v19 =	vadd.s32 v16, v21  }
0x1b2: {  	s4 =	simm.s32 $0x4;
	s17 =	simm.s32 $0x2420;
	s18 =	simm.s32 $0x50;
	[tilespmem:s0+$0xFFFFFFF0] =	vst v15;
	v15 =	vadd.s32 v62, v8;
	v16 =	vand.u32 $0x7F, v17;
	v17 =	vor.u32 v18, v19;
	v12 =	vld.idx.msk [tilespmem:v20+s20+$0x0], $0xffff  }
.LBB2_10:
0x1b3: {  	v18 =	vld [tilespmem:s17+$0x10];
	v19 =	vand.u32 $0x7F, v3;
	v13 =	vadd.s32 v13, v9;
	v16 =	vor.u32 v16, v17;
	[tilespmem:v10+s26+$0x0] =	vst.idx.msk $0xffff, v11  }
0x1b4: {  	s4 =	sadd.s32 $0x4, s4;
	v17 =	vand.u32 $0x7F, v6;
	v10 =	vld [tilespmem:s17+$0xFFFFFFE0];
	v11 =	vor.u32 v19, v14;
	v14 =	vand.u32 $0x7F, v4;
	[tilespmem:s0+$0x0] =	vst v2;
	v2 =	vmovc v6  }
0x1b5: {  	p1 =	slt.u32 s4, $0x2C;
	v19 =	vshrl.u32 v3, $0x3;
	v13 =	vor.u32 v17, v13;
	v6 =	vld [tilespmem:s17+$0xFFFFFFF0];
	v14 =	vor.u32 v14, v15  }
0x1b6: {  	v20 =	vshrl.u32 v4, $0x3;
	v17 =	vmov s18;
	v21 =	vshrl.u32 v2, $0x3;
	v15 =	vld [tilespmem:s17+$0x0]  }
0x1b7: {  	v22 =	vmov s2;
	v23 =	vmov s3;
	v19 =	vmul.u32 $0x1800, v19  }
0x1b8: {  	v20 =	vmul.u32 $0x1800, v20;
	s0 =	sadd.s32 $0x40, s0;
	v17 =	vshll.u32 v17, $0x3;
	v21 =	vmul.u32 $0x1800, v21;
	[tilespmem:v16+s26+$0x0] =	vst.idx.msk $0xffff, v12  }
0x1b9: {  	v16 =	vand.u32 $0x1C00, v17;
	v17 =	vshll.u32 v23, $0x3;
	v12 =	vld.idx.msk [tilespmem:v11+s20+$0x0], $0xffff;
	v11 =	vshll.u32 v22, $0x3;
	[tilespmem:s0+$0x10] =	vst v5  }
0x1ba: {  	v16 =	vadd.s32 v16, v20;
	v17 =	vand.u32 $0x1C00, v17;
	v11 =	vand.u32 $0x1C00, v11;
	v14 =	vld.idx.msk [tilespmem:v14+s20+$0x0], $0xffff  }
0x1bb: {  	v7 =	vand.u32 $0x380, v7;
	v17 =	vadd.s32 v17, v21;
	v5 =	vld.idx.msk [tilespmem:v18+s6+$0x0], $0xffff;
	v11 =	vadd.s32 v11, v19  }
0x1bc: {  	v8 =	vand.u32 $0x380, v8;
	v9 =	vand.u32 $0x380, v9;
	v18 =	vld.idx.msk [tilespmem:v10+s6+$0x0], $0xffff;
	v10 =	vor.u32 s18, v1  }
0x1bd: {  	v20 =	vor.u32 s2, v1;
	v21 =	vor.u32 s3, v1;
	v7 =	vor.u32 v7, v11;
	v19 =	vld.idx.msk [tilespmem:v6+s6+$0x0], $0xffff  }
0x1be: {  	v8 =	vor.u32 v8, v16;
	v9 =	vor.u32 v9, v17;
	v10 =	vand.u32 $0x5F, v10;
	v6 =	vld.idx.msk [tilespmem:v15+s6+$0x0], $0xffff  }
0x1bf: {  	v15 =	vand.u32 $0x4F, v20;
	v16 =	vor.u32 v10, v8;
	v8 =	vand.u32 $0x6F, v21;
	v11 =	vld.idx.msk [tilespmem:v13+s20+$0x0], $0xffff  }
0x1c0: {  	v15 =	vor.u32 v15, v7;
	v10 =	vor.u32 v8, v9  }
0x1c1: {  	v7 =	vand.u32 $0xFFFFFF80, v5;
	v17 =	vshll.u32 v5, $0x7  }
0x1c2: {  	s2 =	sadd.s32 $0x40, s2;
	v8 =	vand.u32 $0x7F, v5;
	v9 =	vand.u32 $0xFFFFFF80, v18;
	v13 =	vadd.s32 v7, v17  }
0x1c3: {  	s3 =	sadd.s32 $0x20, s2;
	s8 =	sadd.s32 $0x30, s2;
	s18 =	sadd.s32 $0x10, s2;
	v7 =	vshll.u32 v18, $0x7;
	v20 =	vand.u32 $0xFFFFFF80, v19;
	v21 =	vor.u32 v8, v13  }
.Ltmp6:
0x1c4: {  	v22 =	vmov s8;
	v23 =	vshrl.u32 v5, $0x3;
	v8 =	vshll.u32 v19, $0x7;
	[tilespmem:v16+s26+$0x0] =	vst.idx.msk $0xffff, v14;
	(pc) =	sbr.rel @p1 .LBB2_10-.Ltmp6, $4  }
0x1c5: {  	v22 =	vshll.u32 v22, $0x3;
	v13 =	vand.u32 $0xFFFFFF80, v6;
	v16 =	vmul.u32 $0x1800, v23;
	[tilespmem:v15+s26+$0x0] =	vst.idx.msk $0xffff, v12  }
0x1c6: {  	v14 =	vadd.s32 v9, v7;
	v9 =	vshll.u32 v6, $0x7;
	v12 =	vand.u32 $0x1C00, v22;
	[tilespmem:s0+$0xFFFFFFE0] =	vst v3;
	v3 =	vmovc v18  }
0x1c7: {  	v17 =	vand.u32 $0x380, v17;
	v18 =	vor.u32 s8, v1;
	v22 =	vadd.s32 v12, v16;
	[tilespmem:s0+$0xFFFFFFF0] =	vst v4;
	v4 =	vmovc v19  }
0x1c8: {  	s17 =	sadd.s32 $0x40, s17;
	v15 =	vadd.s32 v20, v8;
	v16 =	vand.u32 $0x7F, v18;
	v17 =	vor.u32 v17, v22;
	v12 =	vld.idx.msk [tilespmem:v21+s20+$0x0], $0xffff  }
0x1c9: {  	v18 =	vand.u32 $0x7F, v3;
	v13 =	vadd.s32 v13, v9;
	v16 =	vor.u32 v16, v17  }
0x1ca: {  	v50 =	vand.u32 $0x7F, v4;
	v51 =	vand.u32 $0x7F, v6;
	v19 =	vshrl.u32 v3, $0x3  }
0x1cb: {  	v52 =	vmov s18;
	v20 =	vshrl.u32 v4, $0x3;
	v21 =	vmov s2  }
0x1cc: {  	v7 =	vand.u32 $0x380, v7;
	v54 =	vor.u32 s18, v1;
	v8 =	vand.u32 $0x380, v8  }
0x1cd: {  	v55 =	vshrl.u32 v6, $0x3;
	v56 =	vmov s3;
	v57 =	vor.u32 s2, v1  }
0x1ce: {  	v14 =	vor.u32 v18, v14;
	v15 =	vor.u32 v50, v15;
	v19 =	vmul.u32 $0x1800, v19  }
0x1cf: {  	v20 =	vmul.u32 $0x1800, v20;
	v17 =	vshll.u32 v52, $0x3;
	v21 =	vshll.u32 v21, $0x3  }
0x1d0: {  	v13 =	vor.u32 v51, v13;
	v17 =	vand.u32 $0x1C00, v17;
	v53 =	vand.u32 $0x1C00, v21  }
0x1d1: {  	v17 =	vadd.s32 v17, v20;
	v18 =	vadd.s32 v53, v19;
	v19 =	vand.u32 $0x5F, v54  }
0x1d2: {  	v7 =	vor.u32 v7, v18;
	v8 =	vor.u32 v8, v17;
	v18 =	vmul.u32 $0x1800, v55  }
0x1d3: {  	v17 =	vshll.u32 v56, $0x3;
	v8 =	vor.u32 v19, v8;
	v19 =	vand.u32 $0x4F, v57;
	v15 =	vld.idx.msk [tilespmem:v15+s20+$0x0], $0xffff  }
0x1d4: {  	[tilespmem:v10+s26+$0x0] =	vst.idx.msk $0xffff, v11;
	v59 =	vand.u32 $0x1C00, v17;
	v58 =	vld.idx.msk [tilespmem:v14+s20+$0x0], $0xffff;
	v7 =	vor.u32 v19, v7  }
0x1d5: {  	v60 =	vand.u32 $0x380, v9;
	v61 =	vor.u32 s3, v1;
	[tilespmem:s0+$0x0] =	vst v2;
	v2 =	vadd.s32 v59, v18  }
0x1d6: {  	s18 =	sadd.s32 $0x40, s0;
	v62 =	vand.u32 $0x6F, v61;
	[tilespmem:v16+s26+$0x0] =	vst.idx.msk $0xffff, v12;
	v2 =	vor.u32 v60, v2  }
0x1d7: {  	[tilespmem:s18+$0x10] =	vst v5;
	v63 =	vld.idx.msk [tilespmem:v13+s20+$0x0], $0xffff;
	v2 =	vor.u32 v62, v2  }
0x1d8: {  	[tilespmem:v8+s26+$0x0] =	vst.idx.msk $0xffff, v15  }
0x1d9: {  	[tilespmem:v7+s26+$0x0] =	vst.idx.msk $0xffff, v58  }
0x1da: {  	[tilespmem:s18+$0xFFFFFFE0] =	vst v3  }
0x1db: {  	[tilespmem:s18+$0xFFFFFFF0] =	vst v4  }
.Ltmp7:
0x1dc: {  	[tilespmem:v2+s26+$0x0] =	vst.idx.msk $0xffff, v63;
	(pc) =	sbr.rel .LBB2_12-.Ltmp7, $4  }
0x1dd: {  	[tilespmem:s18+$0x0] =	vst v6  }
0x1de: {  	[tilespmem:s10], [sflag:$0x4] =	stream.linear.gather [hbm4b:s12+s6], $0x300, $0x38;
	[tilespmem:$0x1CD00] =	vst v63  }
0x1df: {  	s31 =	simm.s32 $0x1  }
0x1e0: {  	[hbm4b:s13+s23] =	stream.strided.scatter [tilespmem:s26], [sflag:$0x2], $0xC000, s24, s23, $0x38;
	[tilespmem:$0x1CD00] =	vst v63  }
.LBB2_24:
0x1e1: {  	s31 =	sadd.s32 $0x1, s31  }
0x1e2: {  	p1 =	sne.s32 s31, $0xB  }
.Ltmp8:
0x1e3: {  	_ = 	snop;
	(pc) =	sbr.rel @!p1 .LBB2_25-.Ltmp8, $1  }
0x1e4: {  	_ =	sdelay $0x3  }
.LBB2_12:
0x1e5: {  	s0 =	sshll.u32 s31, $0x6  }
0x1e6: {  	s3 =	sor.u32 s7, s0  }
0x1e7: {  	p1 =	sgt.u32 s3, $0x28A  }
.Ltmp9:
0x1e8: {  	_ = 	snop;
	(pc) =	sbr.rel @p1 .LBB2_18-.Ltmp9, $1  }
0x1e9: {  	_ =	sdelay $0x3  }
0x1ea: {  	_ =	swait.ge [sflag:s21], $0x300  }
0x1eb: {  	[sflag:s21] =	ssyncset.done $0x0  }
0x1ec: {  	[sflag:s21] =	ssyncadd.s32 $0xFFFFFD00  }
0x1ed: {  	_ =	swait.ge [sflag:s28], $0xC000  }
0x1ee: {  	[sflag:s28] =	ssyncset.done $0x0  }
0x1ef: {  	s0 =	simm.s32 $0x2720;
	[sflag:s28] =	ssyncadd.s32 $0xFFFF4000  }
0x1f0: {  	v3 =	vld [tilespmem:s0+$0x10]  }
0x1f1: {  	v6 =	vld [tilespmem:s0+$0xFFFFFFE0]  }
0x1f2: {  	v7 =	vld [tilespmem:s0+$0xFFFFFFF0]  }
0x1f3: {  	s2 =	simm.s32 $0x0  }
0x1f4: {  	s4 =	simm.s32 $0x10;
	s8 =	simm.s32 $0x30;
	v8 =	vmov s2;
	v2 =	vor.u32 s2, v1;
	v9 =	vld [tilespmem:s0+$0x0]  }
0x1f5: {  	v10 =	vmov s4;
	v4 =	vmov s8;
	v5 =	vshrl.u32 v3, $0x3  }
0x1f6: {  	v4 =	vshll.u32 v4, $0x3;
	v11 =	vshrl.u32 v6, $0x3;
	v12 =	vmul.u32 $0x1800, v5  }
0x1f7: {  	v13 =	vshrl.u32 v7, $0x3;
	v3 =	vshll.u32 v3, $0x7;
	v5 =	vand.u32 $0x1C00, v4  }
0x1f8: {  	v4 =	vor.u32 s8, v1;
	v3 =	vand.u32 $0x380, v3;
	v12 =	vadd.s32 v5, v12  }
0x1f9: {  	v14 =	vshrl.u32 v9, $0x3;
	v4 =	vand.u32 $0x7F, v4;
	v3 =	vor.u32 v3, v12  }
0x1fa: {  	v6 =	vshll.u32 v6, $0x7;
	v9 =	vshll.u32 v9, $0x7;
	s8 =	simm.s32 $0x20;
	v15 =	vor.u32 v4, v3  }
0x1fb: {  	v11 =	vmul.u32 $0x1800, v11;
	v13 =	vmul.u32 $0x1800, v13;
	v63 =	vmov s8  }
0x1fc: {  	v14 =	vmul.u32 $0x1800, v14;
	v12 =	vshll.u32 v63, $0x3;
	v3 =	vshll.u32 v10, $0x3  }
0x1fd: {  	v10 =	vshll.u32 v8, $0x3;
	v8 =	vshll.u32 v7, $0x7;
	v16 =	vand.u32 $0x1C00, v3  }
0x1fe: {  	v12 =	vand.u32 $0x1C00, v12;
	v3 =	vand.u32 $0x1C00, v10;
	v7 =	vadd.s32 v16, v13  }
0x1ff: {  	s17 =	simm.s32 $0x0;
	s18 =	simm.s32 $0x2760;
	s9 =	simm.s32 $0x0;
	v10 =	vadd.s32 v3, v11;
	v11 =	vand.u32 $0x380, v6;
	v6 =	vadd.s32 v12, v14;
	[tilespmem:v15+s22+$0x0] =	vst.idx.msk $0xffff, v0  }
.LBB2_14:
0x200: {  	v12 =	vld [tilespmem:s18+$0x10];
	s17 =	sadd.s32 $0x4, s17;
	v13 =	vor.u32 s4, v1;
	v8 =	vand.u32 $0x380, v8;
	v9 =	vand.u32 $0x380, v9  }
0x201: {  	v10 =	vor.u32 v11, v10;
	v14 =	vld [tilespmem:s18+$0xFFFFFFE0];
	p1 =	slt.u32 s17, $0x2C;
	v7 =	vor.u32 v8, v7;
	v8 =	vor.u32 s8, v1  }
0x202: {  	v13 =	vand.u32 $0x5F, v13;
	v6 =	vor.u32 v9, v6;
	v11 =	vld [tilespmem:s18+$0xFFFFFFF0];
	v8 =	vand.u32 $0x6F, v8  }
0x203: {  	v15 =	vand.u32 $0x4F, v2;
	s9 =	sadd.s32 $0x40, s9;
	v7 =	vor.u32 v13, v7;
	v9 =	vld [tilespmem:s18+$0x0];
	v6 =	vor.u32 v8, v6  }
0x204: {  	v2 =	vor.u32 s9, v1;
	s4 =	sadd.s32 $0x10, s9;
	s8 =	sadd.s32 $0x20, s9;
	s10 =	sadd.s32 $0x30, s9;
	v10 =	vor.u32 v15, v10;
	v8 =	vmov s9  }
0x205: {  	v13 =	vmov s4;
	v15 =	vmov s10;
	v16 =	vshrl.u32 v12, $0x3  }
0x206: {  	v15 =	vshll.u32 v15, $0x3;
	v17 =	vshrl.u32 v14, $0x3;
	v16 =	vmul.u32 $0x1800, v16  }
0x207: {  	v15 =	vand.u32 $0x1C00, v15;
	v12 =	vshll.u32 v12, $0x7;
	v18 =	vshrl.u32 v11, $0x3  }
0x208: {  	v19 =	vor.u32 s10, v1;
	v12 =	vand.u32 $0x380, v12;
	v15 =	vadd.s32 v15, v16;
	[tilespmem:v7+s22+$0x0] =	vst.idx.msk $0xffff, v0  }
0x209: {  	v7 =	vshrl.u32 v9, $0x3;
	v16 =	vand.u32 $0x7F, v19;
	v12 =	vor.u32 v12, v15;
	[tilespmem:v10+s22+$0x0] =	vst.idx.msk $0xffff, v0  }
0x20a: {  	v10 =	vmul.u32 $0x1800, v17;
	v15 =	vmov s8;
	v12 =	vor.u32 v16, v12;
	[tilespmem:v6+s22+$0x0] =	vst.idx.msk $0xffff, v0  }
.Ltmp10:
0x20b: {  	v13 =	vshll.u32 v13, $0x3;
	v6 =	vmul.u32 $0x1800, v18;
	v16 =	vmul.u32 $0x1800, v7;
	(pc) =	sbr.rel @p1 .LBB2_14-.Ltmp10, $4  }
0x20c: {  	v14 =	vshll.u32 v14, $0x7;
	v7 =	vshll.u32 v8, $0x3;
	v15 =	vshll.u32 v15, $0x3  }
0x20d: {  	v13 =	vand.u32 $0x1C00, v13;
	v9 =	vshll.u32 v9, $0x7;
	v8 =	vshll.u32 v11, $0x7  }
0x20e: {  	v11 =	vand.u32 $0x1C00, v7;
	v7 =	vadd.s32 v13, v6;
	v6 =	vand.u32 $0x1C00, v15  }
0x20f: {  	s10 =	simm.s32 $0x20A0;
	s18 =	sadd.s32 $0x40, s18;
	v10 =	vadd.s32 v11, v10;
	v11 =	vand.u32 $0x380, v14;
	v6 =	vadd.s32 v6, v16;
	[tilespmem:v12+s22+$0x0] =	vst.idx.msk $0xffff, v0  }
0x210: {  	v12 =	vor.u32 s4, v1;
	v8 =	vand.u32 $0x380, v8;
	v9 =	vand.u32 $0x380, v9  }
0x211: {  	v10 =	vor.u32 v11, v10;
	v11 =	vor.u32 s8, v1;
	v2 =	vand.u32 $0x4F, v2  }
0x212: {  	v7 =	vor.u32 v8, v7;
	v8 =	vand.u32 $0x5F, v12;
	v2 =	vor.u32 v2, v10  }
0x213: {  	v6 =	vor.u32 v9, v6;
	v7 =	vor.u32 v8, v7;
	v8 =	vand.u32 $0x6F, v11  }
0x214: {  	v6 =	vor.u32 v8, v6;
	_ =	sdelay $0x2  }
0x215: {  	[tilespmem:v2+s22+$0x0] =	vst.idx.msk $0xffff, v0  }
0x216: {  	[tilespmem:v7+s22+$0x0] =	vst.idx.msk $0xffff, v0  }
0x217: {  	[tilespmem:v6+s22+$0x0] =	vst.idx.msk $0xffff, v0  }
0x218: {  	v2 =	vld [tilespmem:s10+$0x10]  }
0x219: {  	v6 =	vld [tilespmem:s10+$0xFFFFFFE0];
	_ =	sdelay $0x1  }
0x21a: {  	v7 =	vld [tilespmem:s10+$0xFFFFFFF0]  }
0x21b: {  	v8 =	vld [tilespmem:s10+$0x0];
	_ =	sdelay $0x3  }
0x21c: {  	v9 =	vld.idx.msk [tilespmem:v2+s6+$0x0], $0xffff  }
0x21d: {  	v12 =	vld.idx.msk [tilespmem:v6+s6+$0x0], $0xffff;
	_ =	sdelay $0x1  }
0x21e: {  	v15 =	vld.idx.msk [tilespmem:v7+s6+$0x0], $0xffff  }
0x21f: {  	v2 =	vld.idx.msk [tilespmem:v8+s6+$0x0], $0xffff  }
0x220: {  	v6 =	vand.u32 $0xFFFFFF80, v9  }
0x221: {  	v7 =	vshll.u32 v9, $0x7;
	v8 =	vand.u32 $0xFFFFFF80, v12;
	v10 =	vand.u32 $0x7F, v9  }
0x222: {  	v11 =	vshll.u32 v12, $0x7;
	v13 =	vshrl.u32 v9, $0x3;
	v6 =	vadd.s32 v6, v7  }
0x223: {  	v14 =	vand.u32 $0xFFFFFF80, v15;
	v6 =	vor.u32 v10, v6;
	v10 =	vmul.u32 $0x1800, v13  }
0x224: {  	v16 =	vand.u32 $0xFFFFFF80, v2;
	v17 =	vshll.u32 v2, $0x7;
	v8 =	vadd.s32 v8, v11  }
0x225: {  	s10 =	simm.s32 $0x20E0;
	v7 =	vand.u32 $0x380, v7;
	v13 =	vshll.u32 v15, $0x7;
	v5 =	vadd.s32 v5, v10  }
0x226: {  	v16 =	vadd.s32 v16, v17;
	v10 =	vadd.s32 v14, v13;
	v5 =	vor.u32 v7, v5;
	v7 =	vld [tilespmem:s10+$0x10]  }
0x227: {  	v14 =	vand.u32 $0x7F, v12;
	v18 =	vor.u32 v4, v5;
	v4 =	vld [tilespmem:s10+$0xFFFFFFE0];
	v5 =	vand.u32 $0x7F, v15  }
0x228: {  	s17 =	simm.s32 $0x10;
	s9 =	simm.s32 $0x20;
	v19 =	vld [tilespmem:s10+$0xFFFFFFF0];
	v8 =	vor.u32 v14, v8;
	v14 =	vand.u32 $0x7F, v2;
	v10 =	vor.u32 v5, v10  }
0x229: {  	v23 =	vmov s9;
	v55 =	vor.u32 s17, v1;
	v16 =	vor.u32 v14, v16;
	v14 =	vld [tilespmem:s10+$0x0]  }
0x22a: {  	v56 =	vor.u32 s2, v1;
	v23 =	vshll.u32 v23, $0x3;
	v57 =	vand.u32 $0x5F, v55  }
0x22b: {  	v54 =	vand.u32 $0x1C00, v23;
	v21 =	vshrl.u32 v15, $0x3;
	v5 =	vmov s17;
	v24 =	vld.idx.msk [tilespmem:v6+s20+$0x0], $0xffff  }
0x22c: {  	v20 =	vshrl.u32 v12, $0x3;
	v21 =	vmul.u32 $0x1800, v21;
	v5 =	vshll.u32 v5, $0x3  }
0x22d: {  	v22 =	vshrl.u32 v2, $0x3;
	v20 =	vmul.u32 $0x1800, v20;
	v5 =	vand.u32 $0x1C00, v5;
	v58 =	vld.idx.msk [tilespmem:v10+s20+$0x0], $0xffff  }
0x22e: {  	v22 =	vmul.u32 $0x1800, v22;
	v13 =	vand.u32 $0x380, v13;
	v6 =	vadd.s32 v5, v21;
	v5 =	vld.idx.msk [tilespmem:v7+s6+$0x0], $0xffff  }
0x22f: {  	v17 =	vand.u32 $0x380, v17;
	v20 =	vadd.s32 v3, v20;
	v10 =	vor.u32 v13, v6;
	v3 =	vld.idx.msk [tilespmem:v4+s6+$0x0], $0xffff  }
0x230: {  	s18 =	simm.s32 $0x70;
	v13 =	vand.u32 $0x4F, v56;
	[tilespmem:v18+s22+$0x0] =	vst.idx.msk $0xffff, v24;
	v7 =	vand.u32 $0x380, v11;
	v11 =	vadd.s32 v54, v22;
	v4 =	vld.idx.msk [tilespmem:v19+s6+$0x0], $0xffff  }
0x231: {  	[tilespmem:s0+$0x10] =	vst v9;
	v9 =	vmov s18;
	v19 =	vor.u32 s9, v1;
	v6 =	vld.idx.msk [tilespmem:v14+s6+$0x0], $0xffff;
	v14 =	vor.u32 v57, v10  }
0x232: {  	v7 =	vor.u32 v7, v20;
	v11 =	vor.u32 v17, v11;
	v10 =	vand.u32 $0x6F, v19  }
0x233: {  	v17 =	vor.u32 v13, v7;
	v19 =	vld.idx.msk [tilespmem:v8+s20+$0x0], $0xffff;
	v7 =	vand.u32 $0xFFFFFF80, v5;
	v59 =	vshll.u32 v5, $0x7  }
0x234: {  	v10 =	vor.u32 v10, v11;
	v8 =	vand.u32 $0x7F, v5;
	v13 =	vadd.s32 v7, v59  }
0x235: {  	v11 =	vand.u32 $0xFFFFFF80, v3;
	v7 =	vshll.u32 v3, $0x7;
	v60 =	vor.u32 v8, v13  }
0x236: {  	v63 =	vshll.u32 v9, $0x3;
	v61 =	vshrl.u32 v5, $0x3;
	[tilespmem:v14+s22+$0x0] =	vst.idx.msk $0xffff, v58;
	v14 =	vadd.s32 v11, v7;
	v11 =	vld.idx.msk [tilespmem:v16+s20+$0x0], $0xffff  }
0x237: {  	v18 =	vand.u32 $0xFFFFFF80, v4;
	v62 =	vmul.u32 $0x1800, v61;
	v9 =	vshll.u32 v6, $0x7  }
0x238: {  	v8 =	vshll.u32 v4, $0x7;
	v13 =	vand.u32 $0xFFFFFF80, v6;
	[tilespmem:v17+s22+$0x0] =	vst.idx.msk $0xffff, v19;
	v17 =	vand.u32 $0x1C00, v63  }
0x239: {  	s2 =	simm.s32 $0x40;
	s8 =	simm.s32 $0x50;
	v16 =	vor.u32 s18, v1;
	v19 =	vand.u32 $0x380, v59;
	[tilespmem:s0+$0xFFFFFFF0] =	vst v15;
	v17 =	vadd.s32 v17, v62  }
0x23a: {  	s4 =	simm.s32 $0x60;
	s17 =	simm.s32 $0x4;
	s18 =	simm.s32 $0x2120;
	[tilespmem:s0+$0xFFFFFFE0] =	vst v12;
	v15 =	vadd.s32 v18, v8;
	v16 =	vand.u32 $0x7F, v16;
	v17 =	vor.u32 v19, v17;
	v12 =	vld.idx.msk [tilespmem:v60+s20+$0x0], $0xffff  }
.LBB2_16:
0x23b: {  	v18 =	vld [tilespmem:s18+$0x10];
	v19 =	vand.u32 $0x7F, v3;
	v13 =	vadd.s32 v13, v9;
	v16 =	vor.u32 v16, v17;
	[tilespmem:v10+s22+$0x0] =	vst.idx.msk $0xffff, v11  }
0x23c: {  	s17 =	sadd.s32 $0x4, s17;
	v17 =	vand.u32 $0x7F, v6;
	v10 =	vld [tilespmem:s18+$0xFFFFFFE0];
	v11 =	vor.u32 v19, v14;
	v14 =	vand.u32 $0x7F, v4;
	[tilespmem:s0+$0x0] =	vst v2;
	v2 =	vmovc v6  }
0x23d: {  	p1 =	slt.u32 s17, $0x2C;
	v19 =	vshrl.u32 v3, $0x3;
	v13 =	vor.u32 v17, v13;
	v6 =	vld [tilespmem:s18+$0xFFFFFFF0];
	v14 =	vor.u32 v14, v15  }
0x23e: {  	v20 =	vshrl.u32 v4, $0x3;
	v17 =	vmov s8;
	v21 =	vshrl.u32 v2, $0x3;
	v15 =	vld [tilespmem:s18+$0x0]  }
0x23f: {  	v22 =	vmov s2;
	v23 =	vmov s4;
	v19 =	vmul.u32 $0x1800, v19  }
0x240: {  	v20 =	vmul.u32 $0x1800, v20;
	s0 =	sadd.s32 $0x40, s0;
	v17 =	vshll.u32 v17, $0x3;
	v21 =	vmul.u32 $0x1800, v21;
	[tilespmem:v16+s22+$0x0] =	vst.idx.msk $0xffff, v12  }
0x241: {  	v16 =	vand.u32 $0x1C00, v17;
	v17 =	vshll.u32 v23, $0x3;
	v12 =	vld.idx.msk [tilespmem:v11+s20+$0x0], $0xffff;
	v11 =	vshll.u32 v22, $0x3;
	[tilespmem:s0+$0x10] =	vst v5  }
0x242: {  	v16 =	vadd.s32 v16, v20;
	v17 =	vand.u32 $0x1C00, v17;
	v11 =	vand.u32 $0x1C00, v11;
	v14 =	vld.idx.msk [tilespmem:v14+s20+$0x0], $0xffff  }
0x243: {  	v7 =	vand.u32 $0x380, v7;
	v17 =	vadd.s32 v17, v21;
	v5 =	vld.idx.msk [tilespmem:v18+s6+$0x0], $0xffff;
	v11 =	vadd.s32 v11, v19  }
0x244: {  	v8 =	vand.u32 $0x380, v8;
	v9 =	vand.u32 $0x380, v9;
	v18 =	vld.idx.msk [tilespmem:v10+s6+$0x0], $0xffff;
	v10 =	vor.u32 s8, v1  }
0x245: {  	v20 =	vor.u32 s2, v1;
	v21 =	vor.u32 s4, v1;
	v7 =	vor.u32 v7, v11;
	v19 =	vld.idx.msk [tilespmem:v6+s6+$0x0], $0xffff  }
0x246: {  	v8 =	vor.u32 v8, v16;
	v9 =	vor.u32 v9, v17;
	v10 =	vand.u32 $0x5F, v10;
	v6 =	vld.idx.msk [tilespmem:v15+s6+$0x0], $0xffff  }
0x247: {  	v15 =	vand.u32 $0x4F, v20;
	v16 =	vor.u32 v10, v8;
	v8 =	vand.u32 $0x6F, v21;
	v11 =	vld.idx.msk [tilespmem:v13+s20+$0x0], $0xffff  }
0x248: {  	v15 =	vor.u32 v15, v7;
	v10 =	vor.u32 v8, v9  }
0x249: {  	v7 =	vand.u32 $0xFFFFFF80, v5;
	v17 =	vshll.u32 v5, $0x7  }
0x24a: {  	s2 =	sadd.s32 $0x40, s2;
	v8 =	vand.u32 $0x7F, v5;
	v9 =	vand.u32 $0xFFFFFF80, v18;
	v13 =	vadd.s32 v7, v17  }
0x24b: {  	s4 =	sadd.s32 $0x20, s2;
	s9 =	sadd.s32 $0x30, s2;
	s8 =	sadd.s32 $0x10, s2;
	v7 =	vshll.u32 v18, $0x7;
	v20 =	vand.u32 $0xFFFFFF80, v19;
	v21 =	vor.u32 v8, v13  }
.Ltmp11:
0x24c: {  	v22 =	vmov s9;
	v23 =	vshrl.u32 v5, $0x3;
	v8 =	vshll.u32 v19, $0x7;
	[tilespmem:v16+s22+$0x0] =	vst.idx.msk $0xffff, v14;
	(pc) =	sbr.rel @p1 .LBB2_16-.Ltmp11, $4  }
0x24d: {  	v22 =	vshll.u32 v22, $0x3;
	v13 =	vand.u32 $0xFFFFFF80, v6;
	v16 =	vmul.u32 $0x1800, v23;
	[tilespmem:v15+s22+$0x0] =	vst.idx.msk $0xffff, v12  }
0x24e: {  	v14 =	vadd.s32 v9, v7;
	v9 =	vshll.u32 v6, $0x7;
	v12 =	vand.u32 $0x1C00, v22;
	[tilespmem:s0+$0xFFFFFFE0] =	vst v3;
	v3 =	vmovc v18  }
0x24f: {  	v17 =	vand.u32 $0x380, v17;
	v18 =	vor.u32 s9, v1;
	v22 =	vadd.s32 v12, v16;
	[tilespmem:s0+$0xFFFFFFF0] =	vst v4;
	v4 =	vmovc v19  }
0x250: {  	s18 =	sadd.s32 $0x40, s18;
	v15 =	vadd.s32 v20, v8;
	v16 =	vand.u32 $0x7F, v18;
	v17 =	vor.u32 v17, v22;
	v12 =	vld.idx.msk [tilespmem:v21+s20+$0x0], $0xffff  }
0x251: {  	v18 =	vand.u32 $0x7F, v3;
	v13 =	vadd.s32 v13, v9;
	v16 =	vor.u32 v16, v17  }
0x252: {  	v50 =	vand.u32 $0x7F, v4;
	v51 =	vand.u32 $0x7F, v6;
	v19 =	vshrl.u32 v3, $0x3  }
0x253: {  	v52 =	vmov s8;
	v20 =	vshrl.u32 v4, $0x3;
	v21 =	vmov s2  }
0x254: {  	v7 =	vand.u32 $0x380, v7;
	v54 =	vor.u32 s8, v1;
	v8 =	vand.u32 $0x380, v8  }
0x255: {  	v55 =	vshrl.u32 v6, $0x3;
	v56 =	vmov s4;
	v57 =	vor.u32 s2, v1  }
0x256: {  	v14 =	vor.u32 v18, v14;
	v15 =	vor.u32 v50, v15;
	v19 =	vmul.u32 $0x1800, v19  }
0x257: {  	v20 =	vmul.u32 $0x1800, v20;
	v17 =	vshll.u32 v52, $0x3;
	v21 =	vshll.u32 v21, $0x3  }
0x258: {  	v13 =	vor.u32 v51, v13;
	v17 =	vand.u32 $0x1C00, v17;
	v53 =	vand.u32 $0x1C00, v21  }
0x259: {  	v17 =	vadd.s32 v17, v20;
	v18 =	vadd.s32 v53, v19;
	v19 =	vand.u32 $0x5F, v54  }
0x25a: {  	v7 =	vor.u32 v7, v18;
	v8 =	vor.u32 v8, v17;
	v18 =	vmul.u32 $0x1800, v55  }
0x25b: {  	v17 =	vshll.u32 v56, $0x3;
	v8 =	vor.u32 v19, v8;
	v19 =	vand.u32 $0x4F, v57;
	v15 =	vld.idx.msk [tilespmem:v15+s20+$0x0], $0xffff  }
0x25c: {  	[tilespmem:v10+s22+$0x0] =	vst.idx.msk $0xffff, v11;
	v59 =	vand.u32 $0x1C00, v17;
	v58 =	vld.idx.msk [tilespmem:v14+s20+$0x0], $0xffff;
	v7 =	vor.u32 v19, v7  }
0x25d: {  	v60 =	vand.u32 $0x380, v9;
	v61 =	vor.u32 s4, v1;
	[tilespmem:s0+$0x0] =	vst v2;
	v2 =	vadd.s32 v59, v18  }
0x25e: {  	s17 =	sadd.s32 $0x40, s0;
	v62 =	vand.u32 $0x6F, v61;
	[tilespmem:v16+s22+$0x0] =	vst.idx.msk $0xffff, v12;
	v2 =	vor.u32 v60, v2  }
0x25f: {  	[tilespmem:s17+$0x10] =	vst v5;
	v63 =	vld.idx.msk [tilespmem:v13+s20+$0x0], $0xffff;
	v2 =	vor.u32 v62, v2  }
0x260: {  	[tilespmem:v8+s22+$0x0] =	vst.idx.msk $0xffff, v15  }
0x261: {  	s2 =	smul.u32 $0x300, s3;
	[tilespmem:v7+s22+$0x0] =	vst.idx.msk $0xffff, v58  }
0x262: {  	p1 =	sgt.u32 s3, $0x24A;
	[tilespmem:s17+$0xFFFFFFE0] =	vst v3  }
0x263: {  	s4 =	sshrl.u32 @!p1 s2, $0x3;
	[tilespmem:s17+$0xFFFFFFF0] =	vst v4  }
0x264: {  	s4 =	sadd.s32 @!p1 s1, s4;
	[tilespmem:v2+s22+$0x0] =	vst.idx.msk $0xffff, v63  }
0x265: {  	s8 =	simm.s32 @!p1 $0x2080;
	s0 =	sadd.s32 @!p1 $0x1800, s4;
	s4 =	simm.s32 @!p1 $0x0;
	[tilespmem:s17+$0x0] =	vst v6  }
0x266: {  	[tilespmem:s8], [sflag:$0x3] =	stream.linear.gather @!p1 [hbm4b:s0+s4], $0x300, $0x38;
	[tilespmem:$0x1CD00] =	vst v63  }
0x267: {  	s18 =	sadd.s32 s5, s2  }
0x268: {  	[hbm4b:s18+s23] =	stream.strided.scatter [tilespmem:s22], [sflag:$0x1], $0xC000, s24, s23, $0x38;
	[tilespmem:$0x1CD00] =	vst v63  }
.LBB2_18:
0x269: {  	s3 =	sor.u32 $0x20, s3  }
0x26a: {  	p1 =	sgt.u32 s3, $0x28A  }
.Ltmp12:
0x26b: {  	_ = 	snop;
	(pc) =	sbr.rel @p1 .LBB2_24-.Ltmp12, $1  }
0x26c: {  	_ =	sdelay $0x3  }
0x26d: {  	_ =	swait.ge [sflag:s25], $0x300  }
0x26e: {  	[sflag:s25] =	ssyncset.done $0x0  }
0x26f: {  	[sflag:s25] =	ssyncadd.s32 $0xFFFFFD00  }
0x270: {  	_ =	swait.ge [sflag:s29], $0xC000  }
0x271: {  	[sflag:s29] =	ssyncset.done $0x0  }
0x272: {  	s0 =	simm.s32 $0x2A20;
	[sflag:s29] =	ssyncadd.s32 $0xFFFF4000  }
0x273: {  	v3 =	vld [tilespmem:s0+$0x10]  }
0x274: {  	v6 =	vld [tilespmem:s0+$0xFFFFFFE0]  }
0x275: {  	v7 =	vld [tilespmem:s0+$0xFFFFFFF0]  }
0x276: {  	s2 =	simm.s32 $0x0  }
0x277: {  	s4 =	simm.s32 $0x10;
	s8 =	simm.s32 $0x30;
	v8 =	vmov s2;
	v2 =	vor.u32 s2, v1;
	v9 =	vld [tilespmem:s0+$0x0]  }
0x278: {  	v10 =	vmov s4;
	v4 =	vmov s8;
	v5 =	vshrl.u32 v3, $0x3  }
0x279: {  	v4 =	vshll.u32 v4, $0x3;
	v11 =	vshrl.u32 v6, $0x3;
	v12 =	vmul.u32 $0x1800, v5  }
0x27a: {  	v13 =	vshrl.u32 v7, $0x3;
	v3 =	vshll.u32 v3, $0x7;
	v5 =	vand.u32 $0x1C00, v4  }
0x27b: {  	v4 =	vor.u32 s8, v1;
	v3 =	vand.u32 $0x380, v3;
	v12 =	vadd.s32 v5, v12  }
0x27c: {  	v14 =	vshrl.u32 v9, $0x3;
	v4 =	vand.u32 $0x7F, v4;
	v3 =	vor.u32 v3, v12  }
0x27d: {  	v6 =	vshll.u32 v6, $0x7;
	v9 =	vshll.u32 v9, $0x7;
	s8 =	simm.s32 $0x20;
	v15 =	vor.u32 v4, v3  }
0x27e: {  	v11 =	vmul.u32 $0x1800, v11;
	v13 =	vmul.u32 $0x1800, v13;
	v63 =	vmov s8  }
0x27f: {  	v14 =	vmul.u32 $0x1800, v14;
	v12 =	vshll.u32 v63, $0x3;
	v3 =	vshll.u32 v10, $0x3  }
0x280: {  	v10 =	vshll.u32 v8, $0x3;
	v8 =	vshll.u32 v7, $0x7;
	v16 =	vand.u32 $0x1C00, v3  }
0x281: {  	v12 =	vand.u32 $0x1C00, v12;
	v3 =	vand.u32 $0x1C00, v10;
	v7 =	vadd.s32 v16, v13  }
0x282: {  	s17 =	simm.s32 $0x0;
	s18 =	simm.s32 $0x2A60;
	s9 =	simm.s32 $0x0;
	v10 =	vadd.s32 v3, v11;
	v11 =	vand.u32 $0x380, v6;
	v6 =	vadd.s32 v12, v14;
	[tilespmem:v15+s26+$0x0] =	vst.idx.msk $0xffff, v0  }
.LBB2_20:
0x283: {  	v12 =	vld [tilespmem:s18+$0x10];
	s17 =	sadd.s32 $0x4, s17;
	v13 =	vor.u32 s4, v1;
	v8 =	vand.u32 $0x380, v8;
	v9 =	vand.u32 $0x380, v9  }
0x284: {  	v10 =	vor.u32 v11, v10;
	v14 =	vld [tilespmem:s18+$0xFFFFFFE0];
	p1 =	slt.u32 s17, $0x2C;
	v7 =	vor.u32 v8, v7;
	v8 =	vor.u32 s8, v1  }
0x285: {  	v13 =	vand.u32 $0x5F, v13;
	v6 =	vor.u32 v9, v6;
	v11 =	vld [tilespmem:s18+$0xFFFFFFF0];
	v8 =	vand.u32 $0x6F, v8  }
0x286: {  	v15 =	vand.u32 $0x4F, v2;
	s9 =	sadd.s32 $0x40, s9;
	v7 =	vor.u32 v13, v7;
	v9 =	vld [tilespmem:s18+$0x0];
	v6 =	vor.u32 v8, v6  }
0x287: {  	v2 =	vor.u32 s9, v1;
	s4 =	sadd.s32 $0x10, s9;
	s8 =	sadd.s32 $0x20, s9;
	s10 =	sadd.s32 $0x30, s9;
	v10 =	vor.u32 v15, v10;
	v8 =	vmov s9  }
0x288: {  	v13 =	vmov s4;
	v15 =	vmov s10;
	v16 =	vshrl.u32 v12, $0x3  }
0x289: {  	v15 =	vshll.u32 v15, $0x3;
	v17 =	vshrl.u32 v14, $0x3;
	v16 =	vmul.u32 $0x1800, v16  }
0x28a: {  	v15 =	vand.u32 $0x1C00, v15;
	v12 =	vshll.u32 v12, $0x7;
	v18 =	vshrl.u32 v11, $0x3  }
0x28b: {  	v19 =	vor.u32 s10, v1;
	v12 =	vand.u32 $0x380, v12;
	v15 =	vadd.s32 v15, v16;
	[tilespmem:v7+s26+$0x0] =	vst.idx.msk $0xffff, v0  }
0x28c: {  	v7 =	vshrl.u32 v9, $0x3;
	v16 =	vand.u32 $0x7F, v19;
	v12 =	vor.u32 v12, v15;
	[tilespmem:v10+s26+$0x0] =	vst.idx.msk $0xffff, v0  }
0x28d: {  	v10 =	vmul.u32 $0x1800, v17;
	v15 =	vmov s8;
	v12 =	vor.u32 v16, v12;
	[tilespmem:v6+s26+$0x0] =	vst.idx.msk $0xffff, v0  }
.Ltmp13:
0x28e: {  	v13 =	vshll.u32 v13, $0x3;
	v6 =	vmul.u32 $0x1800, v18;
	v16 =	vmul.u32 $0x1800, v7;
	(pc) =	sbr.rel @p1 .LBB2_20-.Ltmp13, $4  }
0x28f: {  	v14 =	vshll.u32 v14, $0x7;
	v7 =	vshll.u32 v8, $0x3;
	v15 =	vshll.u32 v15, $0x3  }
0x290: {  	v13 =	vand.u32 $0x1C00, v13;
	v9 =	vshll.u32 v9, $0x7;
	v8 =	vshll.u32 v11, $0x7  }
0x291: {  	v11 =	vand.u32 $0x1C00, v7;
	v7 =	vadd.s32 v13, v6;
	v6 =	vand.u32 $0x1C00, v15  }
0x292: {  	s10 =	simm.s32 $0x23A0;
	s18 =	sadd.s32 $0x40, s18;
	v10 =	vadd.s32 v11, v10;
	v11 =	vand.u32 $0x380, v14;
	v6 =	vadd.s32 v6, v16;
	[tilespmem:v12+s26+$0x0] =	vst.idx.msk $0xffff, v0  }
0x293: {  	v12 =	vor.u32 s4, v1;
	v8 =	vand.u32 $0x380, v8;
	v9 =	vand.u32 $0x380, v9  }
0x294: {  	v10 =	vor.u32 v11, v10;
	v11 =	vor.u32 s8, v1;
	v2 =	vand.u32 $0x4F, v2  }
0x295: {  	v7 =	vor.u32 v8, v7;
	v8 =	vand.u32 $0x5F, v12;
	v2 =	vor.u32 v2, v10  }
0x296: {  	v6 =	vor.u32 v9, v6;
	v7 =	vor.u32 v8, v7;
	v8 =	vand.u32 $0x6F, v11  }
0x297: {  	v6 =	vor.u32 v8, v6;
	_ =	sdelay $0x2  }
0x298: {  	[tilespmem:v2+s26+$0x0] =	vst.idx.msk $0xffff, v0  }
0x299: {  	[tilespmem:v7+s26+$0x0] =	vst.idx.msk $0xffff, v0  }
0x29a: {  	[tilespmem:v6+s26+$0x0] =	vst.idx.msk $0xffff, v0  }
0x29b: {  	v2 =	vld [tilespmem:s10+$0x10]  }
0x29c: {  	v6 =	vld [tilespmem:s10+$0xFFFFFFE0];
	_ =	sdelay $0x1  }
0x29d: {  	v7 =	vld [tilespmem:s10+$0xFFFFFFF0]  }
0x29e: {  	v8 =	vld [tilespmem:s10+$0x0];
	_ =	sdelay $0x3  }
0x29f: {  	v9 =	vld.idx.msk [tilespmem:v2+s6+$0x0], $0xffff  }
0x2a0: {  	v12 =	vld.idx.msk [tilespmem:v6+s6+$0x0], $0xffff;
	_ =	sdelay $0x1  }
0x2a1: {  	v15 =	vld.idx.msk [tilespmem:v7+s6+$0x0], $0xffff  }
0x2a2: {  	v2 =	vld.idx.msk [tilespmem:v8+s6+$0x0], $0xffff  }
0x2a3: {  	v6 =	vand.u32 $0xFFFFFF80, v9  }
0x2a4: {  	v7 =	vshll.u32 v9, $0x7;
	v8 =	vand.u32 $0xFFFFFF80, v12;
	v10 =	vand.u32 $0x7F, v9  }
0x2a5: {  	v11 =	vshll.u32 v12, $0x7;
	v13 =	vshrl.u32 v9, $0x3;
	v6 =	vadd.s32 v6, v7  }
0x2a6: {  	v14 =	vand.u32 $0xFFFFFF80, v15;
	v6 =	vor.u32 v10, v6;
	v10 =	vmul.u32 $0x1800, v13  }
0x2a7: {  	v16 =	vand.u32 $0xFFFFFF80, v2;
	v17 =	vshll.u32 v2, $0x7;
	v8 =	vadd.s32 v8, v11  }
0x2a8: {  	s10 =	simm.s32 $0x23E0;
	v7 =	vand.u32 $0x380, v7;
	v13 =	vshll.u32 v15, $0x7;
	v5 =	vadd.s32 v5, v10  }
0x2a9: {  	v16 =	vadd.s32 v16, v17;
	v10 =	vadd.s32 v14, v13;
	v5 =	vor.u32 v7, v5;
	v7 =	vld [tilespmem:s10+$0x10]  }
0x2aa: {  	v14 =	vand.u32 $0x7F, v12;
	v18 =	vor.u32 v4, v5;
	v4 =	vld [tilespmem:s10+$0xFFFFFFE0];
	v5 =	vand.u32 $0x7F, v15  }
0x2ab: {  	s17 =	simm.s32 $0x10;
	s9 =	simm.s32 $0x20;
	v19 =	vld [tilespmem:s10+$0xFFFFFFF0];
	v8 =	vor.u32 v14, v8;
	v14 =	vand.u32 $0x7F, v2;
	v10 =	vor.u32 v5, v10  }
0x2ac: {  	v23 =	vmov s9;
	v55 =	vor.u32 s17, v1;
	v16 =	vor.u32 v14, v16;
	v14 =	vld [tilespmem:s10+$0x0]  }
0x2ad: {  	v56 =	vor.u32 s2, v1;
	v23 =	vshll.u32 v23, $0x3;
	v57 =	vand.u32 $0x5F, v55  }
0x2ae: {  	v54 =	vand.u32 $0x1C00, v23;
	v21 =	vshrl.u32 v15, $0x3;
	v5 =	vmov s17;
	v24 =	vld.idx.msk [tilespmem:v6+s20+$0x0], $0xffff  }
0x2af: {  	v20 =	vshrl.u32 v12, $0x3;
	v21 =	vmul.u32 $0x1800, v21;
	v5 =	vshll.u32 v5, $0x3  }
0x2b0: {  	v22 =	vshrl.u32 v2, $0x3;
	v20 =	vmul.u32 $0x1800, v20;
	v5 =	vand.u32 $0x1C00, v5;
	v58 =	vld.idx.msk [tilespmem:v10+s20+$0x0], $0xffff  }
0x2b1: {  	v22 =	vmul.u32 $0x1800, v22;
	v13 =	vand.u32 $0x380, v13;
	v6 =	vadd.s32 v5, v21;
	v5 =	vld.idx.msk [tilespmem:v7+s6+$0x0], $0xffff  }
0x2b2: {  	v17 =	vand.u32 $0x380, v17;
	v20 =	vadd.s32 v3, v20;
	v10 =	vor.u32 v13, v6;
	v3 =	vld.idx.msk [tilespmem:v4+s6+$0x0], $0xffff  }
0x2b3: {  	s18 =	simm.s32 $0x70;
	v13 =	vand.u32 $0x4F, v56;
	[tilespmem:v18+s26+$0x0] =	vst.idx.msk $0xffff, v24;
	v7 =	vand.u32 $0x380, v11;
	v11 =	vadd.s32 v54, v22;
	v4 =	vld.idx.msk [tilespmem:v19+s6+$0x0], $0xffff  }
0x2b4: {  	[tilespmem:s0+$0x10] =	vst v9;
	v9 =	vmov s18;
	v19 =	vor.u32 s9, v1;
	v6 =	vld.idx.msk [tilespmem:v14+s6+$0x0], $0xffff;
	v14 =	vor.u32 v57, v10  }
0x2b5: {  	v7 =	vor.u32 v7, v20;
	v11 =	vor.u32 v17, v11;
	v10 =	vand.u32 $0x6F, v19  }
0x2b6: {  	v17 =	vor.u32 v13, v7;
	v19 =	vld.idx.msk [tilespmem:v8+s20+$0x0], $0xffff;
	v7 =	vand.u32 $0xFFFFFF80, v5;
	v59 =	vshll.u32 v5, $0x7  }
0x2b7: {  	v10 =	vor.u32 v10, v11;
	v8 =	vand.u32 $0x7F, v5;
	v13 =	vadd.s32 v7, v59  }
0x2b8: {  	v11 =	vand.u32 $0xFFFFFF80, v3;
	v7 =	vshll.u32 v3, $0x7;
	v60 =	vor.u32 v8, v13  }
0x2b9: {  	v63 =	vshll.u32 v9, $0x3;
	v61 =	vshrl.u32 v5, $0x3;
	[tilespmem:v14+s26+$0x0] =	vst.idx.msk $0xffff, v58;
	v14 =	vadd.s32 v11, v7;
	v11 =	vld.idx.msk [tilespmem:v16+s20+$0x0], $0xffff  }
0x2ba: {  	v18 =	vand.u32 $0xFFFFFF80, v4;
	v62 =	vmul.u32 $0x1800, v61;
	v9 =	vshll.u32 v6, $0x7  }
0x2bb: {  	v8 =	vshll.u32 v4, $0x7;
	v13 =	vand.u32 $0xFFFFFF80, v6;
	[tilespmem:v17+s26+$0x0] =	vst.idx.msk $0xffff, v19;
	v17 =	vand.u32 $0x1C00, v63  }
0x2bc: {  	s2 =	simm.s32 $0x40;
	s8 =	simm.s32 $0x50;
	v16 =	vor.u32 s18, v1;
	v19 =	vand.u32 $0x380, v59;
	[tilespmem:s0+$0xFFFFFFF0] =	vst v15;
	v17 =	vadd.s32 v17, v62  }
0x2bd: {  	s4 =	simm.s32 $0x60;
	s17 =	simm.s32 $0x4;
	s18 =	simm.s32 $0x2420;
	[tilespmem:s0+$0xFFFFFFE0] =	vst v12;
	v15 =	vadd.s32 v18, v8;
	v16 =	vand.u32 $0x7F, v16;
	v17 =	vor.u32 v19, v17;
	v12 =	vld.idx.msk [tilespmem:v60+s20+$0x0], $0xffff  }
.LBB2_22:
0x2be: {  	v18 =	vld [tilespmem:s18+$0x10];
	v19 =	vand.u32 $0x7F, v3;
	v13 =	vadd.s32 v13, v9;
	v16 =	vor.u32 v16, v17;
	[tilespmem:v10+s26+$0x0] =	vst.idx.msk $0xffff, v11  }
0x2bf: {  	s17 =	sadd.s32 $0x4, s17;
	v17 =	vand.u32 $0x7F, v6;
	v10 =	vld [tilespmem:s18+$0xFFFFFFE0];
	v11 =	vor.u32 v19, v14;
	v14 =	vand.u32 $0x7F, v4;
	[tilespmem:s0+$0x0] =	vst v2;
	v2 =	vmovc v6  }
0x2c0: {  	p1 =	slt.u32 s17, $0x2C;
	v19 =	vshrl.u32 v3, $0x3;
	v13 =	vor.u32 v17, v13;
	v6 =	vld [tilespmem:s18+$0xFFFFFFF0];
	v14 =	vor.u32 v14, v15  }
0x2c1: {  	v20 =	vshrl.u32 v4, $0x3;
	v17 =	vmov s8;
	v21 =	vshrl.u32 v2, $0x3;
	v15 =	vld [tilespmem:s18+$0x0]  }
0x2c2: {  	v22 =	vmov s2;
	v23 =	vmov s4;
	v19 =	vmul.u32 $0x1800, v19  }
0x2c3: {  	v20 =	vmul.u32 $0x1800, v20;
	s0 =	sadd.s32 $0x40, s0;
	v17 =	vshll.u32 v17, $0x3;
	v21 =	vmul.u32 $0x1800, v21;
	[tilespmem:v16+s26+$0x0] =	vst.idx.msk $0xffff, v12  }
0x2c4: {  	v16 =	vand.u32 $0x1C00, v17;
	v17 =	vshll.u32 v23, $0x3;
	v12 =	vld.idx.msk [tilespmem:v11+s20+$0x0], $0xffff;
	v11 =	vshll.u32 v22, $0x3;
	[tilespmem:s0+$0x10] =	vst v5  }
0x2c5: {  	v16 =	vadd.s32 v16, v20;
	v17 =	vand.u32 $0x1C00, v17;
	v11 =	vand.u32 $0x1C00, v11;
	v14 =	vld.idx.msk [tilespmem:v14+s20+$0x0], $0xffff  }
0x2c6: {  	v7 =	vand.u32 $0x380, v7;
	v17 =	vadd.s32 v17, v21;
	v5 =	vld.idx.msk [tilespmem:v18+s6+$0x0], $0xffff;
	v11 =	vadd.s32 v11, v19  }
0x2c7: {  	v8 =	vand.u32 $0x380, v8;
	v9 =	vand.u32 $0x380, v9;
	v18 =	vld.idx.msk [tilespmem:v10+s6+$0x0], $0xffff;
	v10 =	vor.u32 s8, v1  }
0x2c8: {  	v20 =	vor.u32 s2, v1;
	v21 =	vor.u32 s4, v1;
	v7 =	vor.u32 v7, v11;
	v19 =	vld.idx.msk [tilespmem:v6+s6+$0x0], $0xffff  }
0x2c9: {  	v8 =	vor.u32 v8, v16;
	v9 =	vor.u32 v9, v17;
	v10 =	vand.u32 $0x5F, v10;
	v6 =	vld.idx.msk [tilespmem:v15+s6+$0x0], $0xffff  }
0x2ca: {  	v15 =	vand.u32 $0x4F, v20;
	v16 =	vor.u32 v10, v8;
	v8 =	vand.u32 $0x6F, v21;
	v11 =	vld.idx.msk [tilespmem:v13+s20+$0x0], $0xffff  }
0x2cb: {  	v15 =	vor.u32 v15, v7;
	v10 =	vor.u32 v8, v9  }
0x2cc: {  	v7 =	vand.u32 $0xFFFFFF80, v5;
	v17 =	vshll.u32 v5, $0x7  }
0x2cd: {  	s2 =	sadd.s32 $0x40, s2;
	v8 =	vand.u32 $0x7F, v5;
	v9 =	vand.u32 $0xFFFFFF80, v18;
	v13 =	vadd.s32 v7, v17  }
0x2ce: {  	s4 =	sadd.s32 $0x20, s2;
	s9 =	sadd.s32 $0x30, s2;
	s8 =	sadd.s32 $0x10, s2;
	v7 =	vshll.u32 v18, $0x7;
	v20 =	vand.u32 $0xFFFFFF80, v19;
	v21 =	vor.u32 v8, v13  }
.Ltmp14:
0x2cf: {  	v22 =	vmov s9;
	v23 =	vshrl.u32 v5, $0x3;
	v8 =	vshll.u32 v19, $0x7;
	[tilespmem:v16+s26+$0x0] =	vst.idx.msk $0xffff, v14;
	(pc) =	sbr.rel @p1 .LBB2_22-.Ltmp14, $4  }
0x2d0: {  	v22 =	vshll.u32 v22, $0x3;
	v13 =	vand.u32 $0xFFFFFF80, v6;
	v16 =	vmul.u32 $0x1800, v23;
	[tilespmem:v15+s26+$0x0] =	vst.idx.msk $0xffff, v12  }
0x2d1: {  	v14 =	vadd.s32 v9, v7;
	v9 =	vshll.u32 v6, $0x7;
	v12 =	vand.u32 $0x1C00, v22;
	[tilespmem:s0+$0xFFFFFFE0] =	vst v3;
	v3 =	vmovc v18  }
0x2d2: {  	v17 =	vand.u32 $0x380, v17;
	v18 =	vor.u32 s9, v1;
	v22 =	vadd.s32 v12, v16;
	[tilespmem:s0+$0xFFFFFFF0] =	vst v4;
	v4 =	vmovc v19  }
0x2d3: {  	s18 =	sadd.s32 $0x40, s18;
	v15 =	vadd.s32 v20, v8;
	v16 =	vand.u32 $0x7F, v18;
	v17 =	vor.u32 v17, v22;
	v12 =	vld.idx.msk [tilespmem:v21+s20+$0x0], $0xffff  }
0x2d4: {  	v18 =	vand.u32 $0x7F, v3;
	v13 =	vadd.s32 v13, v9;
	v16 =	vor.u32 v16, v17  }
0x2d5: {  	v50 =	vand.u32 $0x7F, v4;
	v51 =	vand.u32 $0x7F, v6;
	v19 =	vshrl.u32 v3, $0x3  }
0x2d6: {  	v52 =	vmov s8;
	v20 =	vshrl.u32 v4, $0x3;
	v21 =	vmov s2  }
0x2d7: {  	v7 =	vand.u32 $0x380, v7;
	v54 =	vor.u32 s8, v1;
	v8 =	vand.u32 $0x380, v8  }
0x2d8: {  	v55 =	vshrl.u32 v6, $0x3;
	v56 =	vmov s4;
	v57 =	vor.u32 s2, v1  }
0x2d9: {  	v14 =	vor.u32 v18, v14;
	v15 =	vor.u32 v50, v15;
	v19 =	vmul.u32 $0x1800, v19  }
0x2da: {  	v20 =	vmul.u32 $0x1800, v20;
	v17 =	vshll.u32 v52, $0x3;
	v21 =	vshll.u32 v21, $0x3  }
0x2db: {  	v13 =	vor.u32 v51, v13;
	v17 =	vand.u32 $0x1C00, v17;
	v53 =	vand.u32 $0x1C00, v21  }
0x2dc: {  	v17 =	vadd.s32 v17, v20;
	v18 =	vadd.s32 v53, v19;
	v19 =	vand.u32 $0x5F, v54  }
0x2dd: {  	v7 =	vor.u32 v7, v18;
	v8 =	vor.u32 v8, v17;
	v18 =	vmul.u32 $0x1800, v55  }
0x2de: {  	v17 =	vshll.u32 v56, $0x3;
	v8 =	vor.u32 v19, v8;
	v19 =	vand.u32 $0x4F, v57;
	v15 =	vld.idx.msk [tilespmem:v15+s20+$0x0], $0xffff  }
0x2df: {  	[tilespmem:v10+s26+$0x0] =	vst.idx.msk $0xffff, v11;
	v59 =	vand.u32 $0x1C00, v17;
	v58 =	vld.idx.msk [tilespmem:v14+s20+$0x0], $0xffff;
	v7 =	vor.u32 v19, v7  }
0x2e0: {  	v60 =	vand.u32 $0x380, v9;
	v61 =	vor.u32 s4, v1;
	[tilespmem:s0+$0x0] =	vst v2;
	v2 =	vadd.s32 v59, v18  }
0x2e1: {  	s17 =	sadd.s32 $0x40, s0;
	v62 =	vand.u32 $0x6F, v61;
	[tilespmem:v16+s26+$0x0] =	vst.idx.msk $0xffff, v12;
	v2 =	vor.u32 v60, v2  }
0x2e2: {  	[tilespmem:s17+$0x10] =	vst v5;
	v63 =	vld.idx.msk [tilespmem:v13+s20+$0x0], $0xffff;
	v2 =	vor.u32 v62, v2  }
0x2e3: {  	[tilespmem:v8+s26+$0x0] =	vst.idx.msk $0xffff, v15  }
0x2e4: {  	s2 =	smul.u32 $0x300, s3;
	[tilespmem:v7+s26+$0x0] =	vst.idx.msk $0xffff, v58  }
0x2e5: {  	p1 =	sgt.u32 s3, $0x24A;
	[tilespmem:s17+$0xFFFFFFE0] =	vst v3  }
0x2e6: {  	s3 =	sshrl.u32 @!p1 s2, $0x3;
	[tilespmem:s17+$0xFFFFFFF0] =	vst v4  }
.Ltmp15:
0x2e7: {  	s3 =	sadd.s32 @!p1 s1, s3;
	[tilespmem:v2+s26+$0x0] =	vst.idx.msk $0xffff, v63;
	(pc) =	sbr.rel .LBB2_24-.Ltmp15, $4  }
0x2e8: {  	s4 =	simm.s32 @!p1 $0x2380;
	s0 =	sadd.s32 @!p1 $0x1800, s3;
	s3 =	simm.s32 @!p1 $0x0;
	[tilespmem:s17+$0x0] =	vst v6  }
0x2e9: {  	[tilespmem:s4], [sflag:$0x4] =	stream.linear.gather @!p1 [hbm4b:s0+s3], $0x300, $0x38;
	[tilespmem:$0x1CD00] =	vst v63  }
0x2ea: {  	s18 =	sadd.s32 s5, s2  }
0x2eb: {  	[hbm4b:s18+s23] =	stream.strided.scatter [tilespmem:s26], [sflag:$0x2], $0xC000, s24, s23, $0x38;
	[tilespmem:$0x1CD00] =	vst v63  }
.LBB2_26:
0x2ec: {  	_ =	sfence.sel $0x180000  }
0x2ed: {  	[bflag:$0x0] =	sbarrier.arrive $0xFFFF  }
0x2ee: {  	_ =	strace $0x90000047  }
0x2ef: {  	s0 =	stileid.u32;
	[bflag:$0x2] =	sbarrier.arrive $0xFFFF  }
0x2f0: {  	p0 =	sne.s32 s0, $0x0;
	s0 =	rddreg [dreg:$0x4]  }
0x2f1: {  	s0 =	sadd.s32 @!p0 $0x100000, s0  }
0x2f2: {  	[sflag:s0] =	ssyncadd.tile.s32 @!p0 $0x1;
	_ =	shalt  }
.Lfunc_end2:
_tile_overlayer_lowered:
.L_overlay_start_2:
0x2f3: {  	(tag) =	ssettag $0x2  }
0x2f4: {  	s0 =	rddreg [dreg:$0x0];
	s2 =	stileid.u32  }
0x2f5: {  	s1 =	rddreg [dreg:$0x1];
	p0 =	sne.s32 s2, $0x0  }
0x2f6: {  	s3 =	rddreg [dreg:$0x2];
	[bflag:$0x3] =	sbarrier.arrive $0xFFFF;
	s2 =	simm.s32 @!p0 $0x1C05  }
0x2f7: {  	[timem:s3], [sflag:s2] =	dma.local @!p0 [hbm:s0], s1  }
0x2f8: {  	s0 =	simm.s32 @!p0 $0x5  }
0x2f9: {  	_ =	swait.ge @!p0 [sflag:s0], s1  }
0x2fa: {  	s1 =	ssub.s32 @!p0 $0x0, s1;
	[sflag:s0] =	ssyncset.done @!p0 $0x0  }
0x2fb: {  	[sflag:s0] =	ssyncadd.s32 @!p0 s1  }
0x2fc: {  	[bflag:$0x3] =	sbarrier.arrive $0xFFFF  }
0x2fd: {  	_ =	shalt  }

</sc_bundles>
